<compile_context>
chip_gen: v7x
topology: tpu7x:2x2x1
jax: 0.10.2.dev20260603
libtpu: 0.0.44.dev20260713+nightly
codegen_flags: <defaults>
</compile_context>

<pallas_src>
import functools

import jax
import jax.numpy as jnp
from jax import lax
from jax.experimental import pallas as pl
from jax.experimental.pallas import tpu as pltpu
from jax.experimental.pallas import tpu_sc as plsc

B, S, T = 16, 512, 128
NC, NS, L = 2, 16, 16
NW = NC * NS
NCHUNK = S // L
PAD = 8

_mesh = plsc.VectorSubcoreMesh(core_axis_name="c", subcore_axis_name="s")


def _lane_total(v):
    s = v[0]
    for i in range(1, L):
        s = s + v[i]
    return jnp.broadcast_to(s, (L,))


@functools.partial(
    pl.kernel,
    out_type=jax.ShapeDtypeStruct((NC * L,), jnp.float32),
    mesh=_mesh,
    scratch_types=[
        pltpu.VMEM((PAD + S,), jnp.int32),
        pltpu.VMEM((4, 128), jnp.int32),
        pltpu.VMEM((4, 128), jnp.int32),
        pltpu.VMEM((4, 128), jnp.float32),
        pltpu.VMEM((4, 128), jnp.float32),
        pltpu.VMEM((L,), jnp.float32),
        pltpu.VMEM((NS * L,), jnp.float32),
        pltpu.VMEM_SHARED((NS * L,), jnp.float32),
        pltpu.SemaphoreType.DMA,
        pltpu.SemaphoreType.DMA,
    ],
)
def _loss_sc_kernel(tgs_hbm, unary_hbm, binary_hbm, out_hbm,
                    tag_v, idxu_v, idxb_v, uval_v, bval_v, sval_v, buf_v,
                    shared_v, sem_u, sem_b):
    c = lax.axis_index("c")
    s = lax.axis_index("s")
    which = s % 2
    b = c * (B // NC) + s // 2
    row = which * B + b
    lanes = lax.iota(jnp.int32, L)

    pltpu.sync_copy(tgs_hbm.at[pl.ds(row * S, S)], tag_v.at[pl.ds(PAD, S)])

    base_u = b * (S * T)
    for j in range(NCHUNK):
        t = tag_v[pl.ds(PAD + j * L, L)]
        tp = tag_v[pl.ds(PAD - 1 + j * L, L)]
        iu = base_u + (j * L + lanes) * T + t
        ib = tp * T + t
        if j == 0:
            ib = jnp.where(lanes == 0, 0, ib)
        r, col = j // 8, (j % 8) * L
        idxu_v[r, pl.ds(col, L)] = iu
        idxb_v[r, pl.ds(col, L)] = ib

    copies = []
    for r in range(4):
        copies.append(
            pltpu.async_copy(unary_hbm.at[idxu_v.at[r]], uval_v.at[r], sem_u))
        copies.append(
            pltpu.async_copy(binary_hbm.at[idxb_v.at[r]], bval_v.at[r], sem_b))
    for cp in copies:
        cp.wait()

    acc = jnp.zeros((L,), jnp.float32)
    for j in range(NCHUNK):
        r, col = j // 8, (j % 8) * L
        u = uval_v[r, pl.ds(col, L)]
        v = bval_v[r, pl.ds(col, L)]
        if j == 0:
            v = jnp.where(lanes == 0, jnp.float32(0.0), v)
        acc = acc + u + v
    sval_v[...] = _lane_total(acc)
    pltpu.sync_copy(sval_v, shared_v.at[pl.ds(s * L, L)])
    plsc.subcore_barrier()

    @pl.when(s == 0)
    def _():
        pltpu.sync_copy(shared_v, buf_v)
        red = jnp.zeros((L,), jnp.float32)
        for k in range(NS // 2):
            g = buf_v[pl.ds((2 * k) * L, L)]
            p = buf_v[pl.ds((2 * k + 1) * L, L)]
            red = red + jnp.maximum(p - g, jnp.float32(0.0))
        sval_v[...] = red
        pltpu.sync_copy(sval_v, out_hbm.at[pl.ds(c * L, L)])


def kernel(unary_potentials, binary_potentials, tags, predicted_tags, mask):
    tgs = jnp.concatenate(
        [tags.astype(jnp.int32), predicted_tags.astype(jnp.int32)], axis=0
    ).reshape(-1)
    out = _loss_sc_kernel(
        tgs, unary_potentials.reshape(-1), binary_potentials.reshape(-1)
    )
    return out[0] + out[L]

# --- scband reference (transcript-rebuilt; emitter-appended) ---
"""Pipeline reference for scband-structured-perceptron-37417755083582 (READ-ONLY COPY).

The authoritative reference and input builder live on the scoring server;
editing this copy changes nothing except your own understanding.
"""

import jax, jax.numpy as jnp
import numpy as np


def setup_inputs(seed: int = 0) -> dict:
    key = jax.random.key(seed)
    k1, k2, k3, k4 = jax.random.split(key, 4)
    B, S, T = 16, 512, 128
    unary_potentials = jax.random.normal(k1, (B, S, T), dtype=jnp.float32)
    binary_potentials = jax.random.normal(k2, (T, T), dtype=jnp.float32)
    tags = jax.random.randint(k3, (B, S), 0, T, dtype=jnp.int64)
    predicted_tags = jax.random.randint(k4, (B, S), 0, T, dtype=jnp.int64)
    mask = jnp.ones((B, S), dtype=jnp.int64)
    return {"unary_potentials": unary_potentials, "binary_potentials": binary_potentials, "tags": tags, "predicted_tags": predicted_tags, "mask": mask}


def _score(unary_potentials, binary_potentials, tgs):
    # unary term: sum_i unary[b, i, tgs[b, i]] over the full padded length
    # (the original torch code iterates over max_seq_length ignoring mask)
    u = jnp.take_along_axis(unary_potentials, tgs[:, :, None], axis=2).squeeze(-1)
    u = jnp.sum(u, axis=1)
    # binary term: sum_i binary[tgs[b, i-1], tgs[b, i]] for i = 1..S-1
    b = binary_potentials[tgs[:, :-1], tgs[:, 1:]]
    b = jnp.sum(b, axis=1)
    return u + b


def reference(unary_potentials, binary_potentials, tags, predicted_tags, mask):
    # predicted_tags arrives pre-padded to [B, S] (pad_sequence equivalent)
    gold_scores = _score(unary_potentials, binary_potentials, tags)
    pred_scores = _score(unary_potentials, binary_potentials, predicted_tags)
    losses = pred_scores - gold_scores
    losses = jnp.maximum(losses, jnp.zeros_like(losses))
    loss = jnp.sum(losses)
    return loss

if __name__ == "__main__":
    import jax
    _d = setup_inputs()
    print(jax.jit(kernel)(*tuple(_d.values())))

</pallas_src>

<mosaic_0001>
#map = affine_map<(d0, d1) -> (0)>
module attributes {stable_mosaic.version = 14 : i64} {
  func.func @_loss_sc_kernel(%arg0: i32, %arg1: i32, %arg2: memref<16384xi32, #tpu.memory_space<hbm>>, %arg3: memref<1048576xf32, #tpu.memory_space<hbm>>, %arg4: memref<16384xf32, #tpu.memory_space<hbm>>, %arg5: memref<32xf32, #tpu.memory_space<hbm>>, %arg6: memref<520xi32, #tpu.memory_space<vmem>>, %arg7: memref<4x128xi32, #tpu.memory_space<vmem>>, %arg8: memref<4x128xi32, #tpu.memory_space<vmem>>, %arg9: memref<4x128xf32, #tpu.memory_space<vmem>>, %arg10: memref<4x128xf32, #tpu.memory_space<vmem>>, %arg11: memref<16xf32, #tpu.memory_space<vmem>>, %arg12: memref<256xf32, #tpu.memory_space<vmem>>, %arg13: memref<256xf32, #tpu.memory_space<vmem_shared>>, %arg14: memref<!tpu.dma_semaphore, #tpu.memory_space<semaphore_mem>>, %arg15: memref<!tpu.dma_semaphore, #tpu.memory_space<semaphore_mem>>) attributes {dimension_semantics = [#tpu.dimension_semantics<core_parallel>, #tpu.dimension_semantics<subcore_parallel>], iteration_bounds = array<i64: 2, 16>, scalar_prefetch = 0 : i64, scratch_operands = 10 : i64, tpu.core_type = #tpu.core_type<sc_vector_subcore>, window_params = [{transform_indices = #map}, {transform_indices = #map}, {transform_indices = #map}, {transform_indices = #map}]} {
    %jit3A = arith.constant 2 : i32
    %eq3A = arith.constant 0 : i32
    %eq3A_0 = arith.cmpi eq, %jit3A, %eq3A : i32
    %jit3A_1 = arith.constant 1 : i32
    %select_n3A = arith.select %eq3A_0, %jit3A_1, %jit3A : i32
    %rem3A = arith.remsi %arg1, %select_n3A : i32
    %ne3A = arith.constant 0 : i32
    %ne3A_2 = arith.cmpi ne, %rem3A, %ne3A : i32
    %lt3A = arith.constant 0 : i32
    %lt3A_3 = arith.cmpi slt, %rem3A, %lt3A : i32
    %lt3A_4 = arith.constant 0 : i32
    %lt3A_5 = arith.cmpi slt, %select_n3A, %lt3A_4 : i32
    %ne3A_6 = arith.xori %lt3A_3, %lt3A_5 : i1
    %and3A = arith.andi %ne3A_6, %ne3A_2 : i1
    %add3A = arith.addi %rem3A, %select_n3A : i32
    %select_n3A_7 = arith.select %and3A, %add3A, %rem3A : i32
    %mul3A = arith.constant 8 : i32
    %mul3A_8 = arith.muli %arg0, %mul3A : i32
    %jit3A_9 = arith.constant 2 : i32
    %div3A = arith.divsi %arg1, %jit3A_9 : i32
    %sign3A = arith.constant 0 : i32
    %sign3A_10 = arith.cmpi sgt, %arg1, %sign3A : i32
    %sign3A_11 = arith.extui %sign3A_10 : i1 to i32
    %sign3A_12 = arith.constant 0 : i32
    %sign3A_13 = arith.cmpi slt, %arg1, %sign3A_12 : i32
    %sign3A_14 = arith.extui %sign3A_13 : i1 to i32
    %sign3A_15 = arith.subi %sign3A_11, %sign3A_14 : i32
    %sign3A_16 = arith.constant 0 : i32
    %sign3A_17 = arith.cmpi sgt, %jit3A_9, %sign3A_16 : i32
    %sign3A_18 = arith.extui %sign3A_17 : i1 to i32
    %sign3A_19 = arith.constant 0 : i32
    %sign3A_20 = arith.cmpi slt, %jit3A_9, %sign3A_19 : i32
    %sign3A_21 = arith.extui %sign3A_20 : i1 to i32
    %sign3A_22 = arith.subi %sign3A_18, %sign3A_21 : i32
    %ne3A_23 = arith.cmpi ne, %sign3A_15, %sign3A_22 : i32
    %rem3A_24 = arith.remsi %arg1, %jit3A_9 : i32
    %ne3A_25 = arith.constant 0 : i32
    %ne3A_26 = arith.cmpi ne, %rem3A_24, %ne3A_25 : i32
    %and3A_27 = arith.andi %ne3A_23, %ne3A_26 : i1
    %sub3A = arith.constant 1 : i32
    %sub3A_28 = arith.subi %div3A, %sub3A : i32
    %select_n3A_29 = arith.select %and3A_27, %sub3A_28, %div3A : i32
    %add3A_30 = arith.addi %mul3A_8, %select_n3A_29 : i32
    %mul3A_31 = arith.constant 16 : i32
    %mul3A_32 = arith.muli %select_n3A_7, %mul3A_31 : i32
    %add3A_33 = arith.addi %mul3A_32, %add3A_30 : i32
    %iota3A = tpu.iota {dimensions = array<i32: 0>} : vector<16xi32>
    %mul3A_34 = arith.constant 512 : i32
    %mul3A_35 = arith.muli %add3A_33, %mul3A_34 : i32
    "tpu.region"() ({
      %run_scoped3A = tpu.sem_alloc : memref<!tpu.dma_semaphore, #tpu.memory_space<semaphore_mem>>
      %dma_start3A_1638 = arith.constant 8 : i32
      %dma_start3A_1639 = tpu.memref_slice %arg6[%dma_start3A_1638] : memref<520xi32, #tpu.memory_space<vmem>> -> memref<512xi32, #tpu.memory_space<vmem>>
      %dma_start3A_1640 = tpu.memref_slice %arg2[%mul3A_35] : memref<16384xi32, #tpu.memory_space<hbm>> -> memref<512xi32, #tpu.memory_space<hbm>>
      %dma_start3A_1641 = arith.constant 8 : i32
      %dma_start3A_1642 = tpu.memref_slice %arg6[%dma_start3A_1641] : memref<520xi32, #tpu.memory_space<vmem>> -> memref<512xi32, #tpu.memory_space<vmem>>
      %dma_start3A_1643 = tpu.memref_slice %arg2[%mul3A_35] : memref<16384xi32, #tpu.memory_space<hbm>> -> memref<512xi32, #tpu.memory_space<hbm>>
      tpu.enqueue_dma source(%dma_start3A_1643 : memref<512xi32, #tpu.memory_space<hbm>>) target(%dma_start3A_1642 : memref<512xi32, #tpu.memory_space<vmem>>) target_semaphore(%run_scoped3A : memref<!tpu.dma_semaphore, #tpu.memory_space<semaphore_mem>>)
      %dma_wait3A_1644 = arith.constant 8 : i32
      %dma_wait3A_1645 = tpu.memref_slice %arg6[%dma_wait3A_1644] : memref<520xi32, #tpu.memory_space<vmem>> -> memref<512xi32, #tpu.memory_space<vmem>>
      %dma_wait3A_1646 = tpu.memref_slice %arg2[%mul3A_35] : memref<16384xi32, #tpu.memory_space<hbm>> -> memref<512xi32, #tpu.memory_space<hbm>>
      %dma_wait3A_1647 = arith.constant 8 : i32
      %dma_wait3A_1648 = tpu.memref_slice %arg6[%dma_wait3A_1647] : memref<520xi32, #tpu.memory_space<vmem>> -> memref<512xi32, #tpu.memory_space<vmem>>
      %dma_wait3A_1649 = tpu.memref_slice %arg2[%mul3A_35] : memref<16384xi32, #tpu.memory_space<hbm>> -> memref<512xi32, #tpu.memory_space<hbm>>
      tpu.wait_dma2 semaphore(%run_scoped3A : memref<!tpu.dma_semaphore, #tpu.memory_space<semaphore_mem>>) src(%dma_wait3A_1649 : memref<512xi32, #tpu.memory_space<hbm>>) dst(%dma_wait3A_1648 : memref<512xi32, #tpu.memory_space<vmem>>)
      tpu.yield
    }) : () -> ()
    %mul3A_36 = arith.constant 65536 : i32
    %mul3A_37 = arith.muli %add3A_30, %mul3A_36 : i32
    %get3A = arith.constant 8 : index
    %get3A_38 = tpu.vector_load %arg6[%get3A] {strides = array<i32>} : memref<520xi32, #tpu.memory_space<vmem>>, vector<16xi32>,
    %get3A_39 = vector.shape_cast %get3A_38 : vector<16xi32> to vector<16xi32>
    %get3A_40 = arith.constant 7 : index
    %get3A_41 = tpu.vector_load %arg6[%get3A_40] {strides = array<i32>} : memref<520xi32, #tpu.memory_space<vmem>>, vector<16xi32>,
    %get3A_42 = vector.shape_cast %get3A_41 : vector<16xi32> to vector<16xi32>
    %add3A_43 = arith.constant 0 : i32
    %add3A_44 = vector.broadcast %add3A_43 : i32 to vector<16xi32>
    %add3A_45 = arith.addi %add3A_44, %iota3A : vector<16xi32>
    %mul3A_46 = arith.constant 128 : i32
    %mul3A_47 = vector.broadcast %mul3A_46 : i32 to vector<16xi32>
    %mul3A_48 = arith.muli %add3A_45, %mul3A_47 : vector<16xi32>
    %add3A_49 = vector.broadcast %mul3A_37 : i32 to vector<16xi32>
    %add3A_50 = arith.addi %add3A_49, %mul3A_48 : vector<16xi32>
    %add3A_51 = arith.addi %add3A_50, %get3A_39 : vector<16xi32>
    %mul3A_52 = arith.constant 128 : i32
    %mul3A_53 = vector.broadcast %mul3A_52 : i32 to vector<16xi32>
    %mul3A_54 = arith.muli %get3A_42, %mul3A_53 : vector<16xi32>
    %add3A_55 = arith.addi %mul3A_54, %get3A_39 : vector<16xi32>
    %eq3A_56 = arith.constant 0 : i32
    %eq3A_57 = vector.broadcast %eq3A_56 : i32 to vector<16xi32>
    %eq3A_58 = arith.cmpi eq, %iota3A, %eq3A_57 : vector<16xi32>
    %jit3A_59 = arith.constant 0 : i32
    %broadcast_in_dim3A = vector.broadcast %jit3A_59 : i32 to vector<16xi32>
    %select_n3A_60 = arith.select %eq3A_58, %broadcast_in_dim3A, %add3A_55 : vector<16xi1>, vector<16xi32>
    %swap3A = arith.constant 0 : i32
    %swap3A_61 = arith.index_cast %swap3A : i32 to index
    %swap3A_62 = arith.constant 0 : index
    %swap3A_63 = tpu.vector_load %arg7[%swap3A_61, %swap3A_62] {strides = array<i32>} : memref<4x128xi32, #tpu.memory_space<vmem>>, vector<1x16xi32>,
    %swap3A_64 = vector.shape_cast %swap3A_63 : vector<1x16xi32> to vector<16xi32>
    %swap3A_65 = vector.shape_cast %add3A_51 : vector<16xi32> to vector<1x16xi32>
    tpu.vector_store %arg7[%swap3A_61, %swap3A_62], %swap3A_65 {strides = array<i32>} : memref<4x128xi32, #tpu.memory_space<vmem>>, vector<1x16xi32>,
    %swap3A_66 = arith.constant 0 : i32
    %swap3A_67 = arith.index_cast %swap3A_66 : i32 to index
    %swap3A_68 = arith.constant 0 : index
    %swap3A_69 = tpu.vector_load %arg8[%swap3A_67, %swap3A_68] {strides = array<i32>} : memref<4x128xi32, #tpu.memory_space<vmem>>, vector<1x16xi32>,
    %swap3A_70 = vector.shape_cast %swap3A_69 : vector<1x16xi32> to vector<16xi32>
    %swap3A_71 = vector.shape_cast %select_n3A_60 : vector<16xi32> to vector<1x16xi32>
    tpu.vector_store %arg8[%swap3A_67, %swap3A_68], %swap3A_71 {strides = array<i32>} : memref<4x128xi32, #tpu.memory_space<vmem>>, vector<1x16xi32>,
    %get3A_72 = arith.constant 24 : index
    %get3A_73 = tpu.vector_load %arg6[%get3A_72] {strides = array<i32>} : memref<520xi32, #tpu.memory_space<vmem>>, vector<16xi32>,
    %get3A_74 = vector.shape_cast %get3A_73 : vector<16xi32> to vector<16xi32>
    %get3A_75 = arith.constant 23 : index
    %get3A_76 = tpu.vector_load %arg6[%get3A_75] {strides = array<i32>} : memref<520xi32, #tpu.memory_space<vmem>>, vector<16xi32>,
    %get3A_77 = vector.shape_cast %get3A_76 : vector<16xi32> to vector<16xi32>
    %add3A_78 = arith.constant 16 : i32
    %add3A_79 = vector.broadcast %add3A_78 : i32 to vector<16xi32>
    %add3A_80 = arith.addi %add3A_79, %iota3A : vector<16xi32>
    %mul3A_81 = arith.constant 128 : i32
    %mul3A_82 = vector.broadcast %mul3A_81 : i32 to vector<16xi32>
    %mul3A_83 = arith.muli %add3A_80, %mul3A_82 : vector<16xi32>
    %add3A_84 = vector.broadcast %mul3A_37 : i32 to vector<16xi32>
    %add3A_85 = arith.addi %add3A_84, %mul3A_83 : vector<16xi32>
    %add3A_86 = arith.addi %add3A_85, %get3A_74 : vector<16xi32>
    %mul3A_87 = arith.constant 128 : i32
    %mul3A_88 = vector.broadcast %mul3A_87 : i32 to vector<16xi32>
    %mul3A_89 = arith.muli %get3A_77, %mul3A_88 : vector<16xi32>
    %add3A_90 = arith.addi %mul3A_89, %get3A_74 : vector<16xi32>
    %swap3A_91 = arith.constant 0 : i32
    %swap3A_92 = arith.index_cast %swap3A_91 : i32 to index
    %swap3A_93 = arith.constant 16 : index
    %swap3A_94 = tpu.vector_load %arg7[%swap3A_92, %swap3A_93] {strides = array<i32>} : memref<4x128xi32, #tpu.memory_space<vmem>>, vector<1x16xi32>,
    %swap3A_95 = vector.shape_cast %swap3A_94 : vector<1x16xi32> to vector<16xi32>
    %swap3A_96 = vector.shape_cast %add3A_86 : vector<16xi32> to vector<1x16xi32>
    tpu.vector_store %arg7[%swap3A_92, %swap3A_93], %swap3A_96 {strides = array<i32>} : memref<4x128xi32, #tpu.memory_space<vmem>>, vector<1x16xi32>,
    %swap3A_97 = arith.constant 0 : i32
    %swap3A_98 = arith.index_cast %swap3A_97 : i32 to index
    %swap3A_99 = arith.constant 16 : index
    %swap3A_100 = tpu.vector_load %arg8[%swap3A_98, %swap3A_99] {strides = array<i32>} : memref<4x128xi32, #tpu.memory_space<vmem>>, vector<1x16xi32>,
    %swap3A_101 = vector.shape_cast %swap3A_100 : vector<1x16xi32> to vector<16xi32>
    %swap3A_102 = vector.shape_cast %add3A_90 : vector<16xi32> to vector<1x16xi32>
    tpu.vector_store %arg8[%swap3A_98, %swap3A_99], %swap3A_102 {strides = array<i32>} : memref<4x128xi32, #tpu.memory_space<vmem>>, vector<1x16xi32>,
    %get3A_103 = arith.constant 40 : index
    %get3A_104 = tpu.vector_load %arg6[%get3A_103] {strides = array<i32>} : memref<520xi32, #tpu.memory_space<vmem>>, vector<16xi32>,
    %get3A_105 = vector.shape_cast %get3A_104 : vector<16xi32> to vector<16xi32>
    %get3A_106 = arith.constant 39 : index
    %get3A_107 = tpu.vector_load %arg6[%get3A_106] {strides = array<i32>} : memref<520xi32, #tpu.memory_space<vmem>>, vector<16xi32>,
    %get3A_108 = vector.shape_cast %get3A_107 : vector<16xi32> to vector<16xi32>
    %add3A_109 = arith.constant 32 : i32
    %add3A_110 = vector.broadcast %add3A_109 : i32 to vector<16xi32>
    %add3A_111 = arith.addi %add3A_110, %iota3A : vector<16xi32>
    %mul3A_112 = arith.constant 128 : i32
    %mul3A_113 = vector.broadcast %mul3A_112 : i32 to vector<16xi32>
    %mul3A_114 = arith.muli %add3A_111, %mul3A_113 : vector<16xi32>
    %add3A_115 = vector.broadcast %mul3A_37 : i32 to vector<16xi32>
    %add3A_116 = arith.addi %add3A_115, %mul3A_114 : vector<16xi32>
    %add3A_117 = arith.addi %add3A_116, %get3A_105 : vector<16xi32>
    %mul3A_118 = arith.constant 128 : i32
    %mul3A_119 = vector.broadcast %mul3A_118 : i32 to vector<16xi32>
    %mul3A_120 = arith.muli %get3A_108, %mul3A_119 : vector<16xi32>
    %add3A_121 = arith.addi %mul3A_120, %get3A_105 : vector<16xi32>
    %swap3A_122 = arith.constant 0 : i32
    %swap3A_123 = arith.index_cast %swap3A_122 : i32 to index
    %swap3A_124 = arith.constant 32 : index
    %swap3A_125 = tpu.vector_load %arg7[%swap3A_123, %swap3A_124] {strides = array<i32>} : memref<4x128xi32, #tpu.memory_space<vmem>>, vector<1x16xi32>,
    %swap3A_126 = vector.shape_cast %swap3A_125 : vector<1x16xi32> to vector<16xi32>
    %swap3A_127 = vector.shape_cast %add3A_117 : vector<16xi32> to vector<1x16xi32>
    tpu.vector_store %arg7[%swap3A_123, %swap3A_124], %swap3A_127 {strides = array<i32>} : memref<4x128xi32, #tpu.memory_space<vmem>>, vector<1x16xi32>,
    %swap3A_128 = arith.constant 0 : i32
    %swap3A_129 = arith.index_cast %swap3A_128 : i32 to index
    %swap3A_130 = arith.constant 32 : index
    %swap3A_131 = tpu.vector_load %arg8[%swap3A_129, %swap3A_130] {strides = array<i32>} : memref<4x128xi32, #tpu.memory_space<vmem>>, vector<1x16xi32>,
    %swap3A_132 = vector.shape_cast %swap3A_131 : vector<1x16xi32> to vector<16xi32>
    %swap3A_133 = vector.shape_cast %add3A_121 : vector<16xi32> to vector<1x16xi32>
    tpu.vector_store %arg8[%swap3A_129, %swap3A_130], %swap3A_133 {strides = array<i32>} : memref<4x128xi32, #tpu.memory_space<vmem>>, vector<1x16xi32>,
    %get3A_134 = arith.constant 56 : index
    %get3A_135 = tpu.vector_load %arg6[%get3A_134] {strides = array<i32>} : memref<520xi32, #tpu.memory_space<vmem>>, vector<16xi32>,
    %get3A_136 = vector.shape_cast %get3A_135 : vector<16xi32> to vector<16xi32>
    %get3A_137 = arith.constant 55 : index
    %get3A_138 = tpu.vector_load %arg6[%get3A_137] {strides = array<i32>} : memref<520xi32, #tpu.memory_space<vmem>>, vector<16xi32>,
    %get3A_139 = vector.shape_cast %get3A_138 : vector<16xi32> to vector<16xi32>
    %add3A_140 = arith.constant 48 : i32
    %add3A_141 = vector.broadcast %add3A_140 : i32 to vector<16xi32>
    %add3A_142 = arith.addi %add3A_141, %iota3A : vector<16xi32>
    %mul3A_143 = arith.constant 128 : i32
    %mul3A_144 = vector.broadcast %mul3A_143 : i32 to vector<16xi32>
    %mul3A_145 = arith.muli %add3A_142, %mul3A_144 : vector<16xi32>
    %add3A_146 = vector.broadcast %mul3A_37 : i32 to vector<16xi32>
    %add3A_147 = arith.addi %add3A_146, %mul3A_145 : vector<16xi32>
    %add3A_148 = arith.addi %add3A_147, %get3A_136 : vector<16xi32>
    %mul3A_149 = arith.constant 128 : i32
    %mul3A_150 = vector.broadcast %mul3A_149 : i32 to vector<16xi32>
    %mul3A_151 = arith.muli %get3A_139, %mul3A_150 : vector<16xi32>
    %add3A_152 = arith.addi %mul3A_151, %get3A_136 : vector<16xi32>
    %swap3A_153 = arith.constant 0 : i32
    %swap3A_154 = arith.index_cast %swap3A_153 : i32 to index
    %swap3A_155 = arith.constant 48 : index
    %swap3A_156 = tpu.vector_load %arg7[%swap3A_154, %swap3A_155] {strides = array<i32>} : memref<4x128xi32, #tpu.memory_space<vmem>>, vector<1x16xi32>,
    %swap3A_157 = vector.shape_cast %swap3A_156 : vector<1x16xi32> to vector<16xi32>
    %swap3A_158 = vector.shape_cast %add3A_148 : vector<16xi32> to vector<1x16xi32>
    tpu.vector_store %arg7[%swap3A_154, %swap3A_155], %swap3A_158 {strides = array<i32>} : memref<4x128xi32, #tpu.memory_space<vmem>>, vector<1x16xi32>,
    %swap3A_159 = arith.constant 0 : i32
    %swap3A_160 = arith.index_cast %swap3A_159 : i32 to index
    %swap3A_161 = arith.constant 48 : index
    %swap3A_162 = tpu.vector_load %arg8[%swap3A_160, %swap3A_161] {strides = array<i32>} : memref<4x128xi32, #tpu.memory_space<vmem>>, vector<1x16xi32>,
    %swap3A_163 = vector.shape_cast %swap3A_162 : vector<1x16xi32> to vector<16xi32>
    %swap3A_164 = vector.shape_cast %add3A_152 : vector<16xi32> to vector<1x16xi32>
    tpu.vector_store %arg8[%swap3A_160, %swap3A_161], %swap3A_164 {strides = array<i32>} : memref<4x128xi32, #tpu.memory_space<vmem>>, vector<1x16xi32>,
    %get3A_165 = arith.constant 72 : index
    %get3A_166 = tpu.vector_load %arg6[%get3A_165] {strides = array<i32>} : memref<520xi32, #tpu.memory_space<vmem>>, vector<16xi32>,
    %get3A_167 = vector.shape_cast %get3A_166 : vector<16xi32> to vector<16xi32>
    %get3A_168 = arith.constant 71 : index
    %get3A_169 = tpu.vector_load %arg6[%get3A_168] {strides = array<i32>} : memref<520xi32, #tpu.memory_space<vmem>>, vector<16xi32>,
    %get3A_170 = vector.shape_cast %get3A_169 : vector<16xi32> to vector<16xi32>
    %add3A_171 = arith.constant 64 : i32
    %add3A_172 = vector.broadcast %add3A_171 : i32 to vector<16xi32>
    %add3A_173 = arith.addi %add3A_172, %iota3A : vector<16xi32>
    %mul3A_174 = arith.constant 128 : i32
    %mul3A_175 = vector.broadcast %mul3A_174 : i32 to vector<16xi32>
    %mul3A_176 = arith.muli %add3A_173, %mul3A_175 : vector<16xi32>
    %add3A_177 = vector.broadcast %mul3A_37 : i32 to vector<16xi32>
    %add3A_178 = arith.addi %add3A_177, %mul3A_176 : vector<16xi32>
    %add3A_179 = arith.addi %add3A_178, %get3A_167 : vector<16xi32>
    %mul3A_180 = arith.constant 128 : i32
    %mul3A_181 = vector.broadcast %mul3A_180 : i32 to vector<16xi32>
    %mul3A_182 = arith.muli %get3A_170, %mul3A_181 : vector<16xi32>
    %add3A_183 = arith.addi %mul3A_182, %get3A_167 : vector<16xi32>
    %swap3A_184 = arith.constant 0 : i32
    %swap3A_185 = arith.index_cast %swap3A_184 : i32 to index
    %swap3A_186 = arith.constant 64 : index
    %swap3A_187 = tpu.vector_load %arg7[%swap3A_185, %swap3A_186] {strides = array<i32>} : memref<4x128xi32, #tpu.memory_space<vmem>>, vector<1x16xi32>,
    %swap3A_188 = vector.shape_cast %swap3A_187 : vector<1x16xi32> to vector<16xi32>
    %swap3A_189 = vector.shape_cast %add3A_179 : vector<16xi32> to vector<1x16xi32>
    tpu.vector_store %arg7[%swap3A_185, %swap3A_186], %swap3A_189 {strides = array<i32>} : memref<4x128xi32, #tpu.memory_space<vmem>>, vector<1x16xi32>,
    %swap3A_190 = arith.constant 0 : i32
    %swap3A_191 = arith.index_cast %swap3A_190 : i32 to index
    %swap3A_192 = arith.constant 64 : index
    %swap3A_193 = tpu.vector_load %arg8[%swap3A_191, %swap3A_192] {strides = array<i32>} : memref<4x128xi32, #tpu.memory_space<vmem>>, vector<1x16xi32>,
    %swap3A_194 = vector.shape_cast %swap3A_193 : vector<1x16xi32> to vector<16xi32>
    %swap3A_195 = vector.shape_cast %add3A_183 : vector<16xi32> to vector<1x16xi32>
    tpu.vector_store %arg8[%swap3A_191, %swap3A_192], %swap3A_195 {strides = array<i32>} : memref<4x128xi32, #tpu.memory_space<vmem>>, vector<1x16xi32>,
    %get3A_196 = arith.constant 88 : index
    %get3A_197 = tpu.vector_load %arg6[%get3A_196] {strides = array<i32>} : memref<520xi32, #tpu.memory_space<vmem>>, vector<16xi32>,
    %get3A_198 = vector.shape_cast %get3A_197 : vector<16xi32> to vector<16xi32>
    %get3A_199 = arith.constant 87 : index
    %get3A_200 = tpu.vector_load %arg6[%get3A_199] {strides = array<i32>} : memref<520xi32, #tpu.memory_space<vmem>>, vector<16xi32>,
    %get3A_201 = vector.shape_cast %get3A_200 : vector<16xi32> to vector<16xi32>
    %add3A_202 = arith.constant 80 : i32
    %add3A_203 = vector.broadcast %add3A_202 : i32 to vector<16xi32>
    %add3A_204 = arith.addi %add3A_203, %iota3A : vector<16xi32>
    %mul3A_205 = arith.constant 128 : i32
    %mul3A_206 = vector.broadcast %mul3A_205 : i32 to vector<16xi32>
    %mul3A_207 = arith.muli %add3A_204, %mul3A_206 : vector<16xi32>
    %add3A_208 = vector.broadcast %mul3A_37 : i32 to vector<16xi32>
    %add3A_209 = arith.addi %add3A_208, %mul3A_207 : vector<16xi32>
    %add3A_210 = arith.addi %add3A_209, %get3A_198 : vector<16xi32>
    %mul3A_211 = arith.constant 128 : i32
    %mul3A_212 = vector.broadcast %mul3A_211 : i32 to vector<16xi32>
    %mul3A_213 = arith.muli %get3A_201, %mul3A_212 : vector<16xi32>
    %add3A_214 = arith.addi %mul3A_213, %get3A_198 : vector<16xi32>
    %swap3A_215 = arith.constant 0 : i32
    %swap3A_216 = arith.index_cast %swap3A_215 : i32 to index
    %swap3A_217 = arith.constant 80 : index
    %swap3A_218 = tpu.vector_load %arg7[%swap3A_216, %swap3A_217] {strides = array<i32>} : memref<4x128xi32, #tpu.memory_space<vmem>>, vector<1x16xi32>,
    %swap3A_219 = vector.shape_cast %swap3A_218 : vector<1x16xi32> to vector<16xi32>
    %swap3A_220 = vector.shape_cast %add3A_210 : vector<16xi32> to vector<1x16xi32>
    tpu.vector_store %arg7[%swap3A_216, %swap3A_217], %swap3A_220 {strides = array<i32>} : memref<4x128xi32, #tpu.memory_space<vmem>>, vector<1x16xi32>,
    %swap3A_221 = arith.constant 0 : i32
    %swap3A_222 = arith.index_cast %swap3A_221 : i32 to index
    %swap3A_223 = arith.constant 80 : index
    %swap3A_224 = tpu.vector_load %arg8[%swap3A_222, %swap3A_223] {strides = array<i32>} : memref<4x128xi32, #tpu.memory_space<vmem>>, vector<1x16xi32>,
    %swap3A_225 = vector.shape_cast %swap3A_224 : vector<1x16xi32> to vector<16xi32>
    %swap3A_226 = vector.shape_cast %add3A_214 : vector<16xi32> to vector<1x16xi32>
    tpu.vector_store %arg8[%swap3A_222, %swap3A_223], %swap3A_226 {strides = array<i32>} : memref<4x128xi32, #tpu.memory_space<vmem>>, vector<1x16xi32>,
    %get3A_227 = arith.constant 104 : index
    %get3A_228 = tpu.vector_load %arg6[%get3A_227] {strides = array<i32>} : memref<520xi32, #tpu.memory_space<vmem>>, vector<16xi32>,
    %get3A_229 = vector.shape_cast %get3A_228 : vector<16xi32> to vector<16xi32>
    %get3A_230 = arith.constant 103 : index
    %get3A_231 = tpu.vector_load %arg6[%get3A_230] {strides = array<i32>} : memref<520xi32, #tpu.memory_space<vmem>>, vector<16xi32>,
    %get3A_232 = vector.shape_cast %get3A_231 : vector<16xi32> to vector<16xi32>
    %add3A_233 = arith.constant 96 : i32
    %add3A_234 = vector.broadcast %add3A_233 : i32 to vector<16xi32>
    %add3A_235 = arith.addi %add3A_234, %iota3A : vector<16xi32>
    %mul3A_236 = arith.constant 128 : i32
    %mul3A_237 = vector.broadcast %mul3A_236 : i32 to vector<16xi32>
    %mul3A_238 = arith.muli %add3A_235, %mul3A_237 : vector<16xi32>
    %add3A_239 = vector.broadcast %mul3A_37 : i32 to vector<16xi32>
    %add3A_240 = arith.addi %add3A_239, %mul3A_238 : vector<16xi32>
    %add3A_241 = arith.addi %add3A_240, %get3A_229 : vector<16xi32>
    %mul3A_242 = arith.constant 128 : i32
    %mul3A_243 = vector.broadcast %mul3A_242 : i32 to vector<16xi32>
    %mul3A_244 = arith.muli %get3A_232, %mul3A_243 : vector<16xi32>
    %add3A_245 = arith.addi %mul3A_244, %get3A_229 : vector<16xi32>
    %swap3A_246 = arith.constant 0 : i32
    %swap3A_247 = arith.index_cast %swap3A_246 : i32 to index
    %swap3A_248 = arith.constant 96 : index
    %swap3A_249 = tpu.vector_load %arg7[%swap3A_247, %swap3A_248] {strides = array<i32>} : memref<4x128xi32, #tpu.memory_space<vmem>>, vector<1x16xi32>,
    %swap3A_250 = vector.shape_cast %swap3A_249 : vector<1x16xi32> to vector<16xi32>
    %swap3A_251 = vector.shape_cast %add3A_241 : vector<16xi32> to vector<1x16xi32>
    tpu.vector_store %arg7[%swap3A_247, %swap3A_248], %swap3A_251 {strides = array<i32>} : memref<4x128xi32, #tpu.memory_space<vmem>>, vector<1x16xi32>,
    %swap3A_252 = arith.constant 0 : i32
    %swap3A_253 = arith.index_cast %swap3A_252 : i32 to index
    %swap3A_254 = arith.constant 96 : index
    %swap3A_255 = tpu.vector_load %arg8[%swap3A_253, %swap3A_254] {strides = array<i32>} : memref<4x128xi32, #tpu.memory_space<vmem>>, vector<1x16xi32>,
    %swap3A_256 = vector.shape_cast %swap3A_255 : vector<1x16xi32> to vector<16xi32>
    %swap3A_257 = vector.shape_cast %add3A_245 : vector<16xi32> to vector<1x16xi32>
    tpu.vector_store %arg8[%swap3A_253, %swap3A_254], %swap3A_257 {strides = array<i32>} : memref<4x128xi32, #tpu.memory_space<vmem>>, vector<1x16xi32>,
    %get3A_258 = arith.constant 120 : index
    %get3A_259 = tpu.vector_load %arg6[%get3A_258] {strides = array<i32>} : memref<520xi32, #tpu.memory_space<vmem>>, vector<16xi32>,
    %get3A_260 = vector.shape_cast %get3A_259 : vector<16xi32> to vector<16xi32>
    %get3A_261 = arith.constant 119 : index
    %get3A_262 = tpu.vector_load %arg6[%get3A_261] {strides = array<i32>} : memref<520xi32, #tpu.memory_space<vmem>>, vector<16xi32>,
    %get3A_263 = vector.shape_cast %get3A_262 : vector<16xi32> to vector<16xi32>
    %add3A_264 = arith.constant 112 : i32
    %add3A_265 = vector.broadcast %add3A_264 : i32 to vector<16xi32>
    %add3A_266 = arith.addi %add3A_265, %iota3A : vector<16xi32>
    %mul3A_267 = arith.constant 128 : i32
    %mul3A_268 = vector.broadcast %mul3A_267 : i32 to vector<16xi32>
    %mul3A_269 = arith.muli %add3A_266, %mul3A_268 : vector<16xi32>
    %add3A_270 = vector.broadcast %mul3A_37 : i32 to vector<16xi32>
    %add3A_271 = arith.addi %add3A_270, %mul3A_269 : vector<16xi32>
    %add3A_272 = arith.addi %add3A_271, %get3A_260 : vector<16xi32>
    %mul3A_273 = arith.constant 128 : i32
    %mul3A_274 = vector.broadcast %mul3A_273 : i32 to vector<16xi32>
    %mul3A_275 = arith.muli %get3A_263, %mul3A_274 : vector<16xi32>
    %add3A_276 = arith.addi %mul3A_275, %get3A_260 : vector<16xi32>
    %swap3A_277 = arith.constant 0 : i32
    %swap3A_278 = arith.index_cast %swap3A_277 : i32 to index
    %swap3A_279 = arith.constant 112 : index
    %swap3A_280 = tpu.vector_load %arg7[%swap3A_278, %swap3A_279] {strides = array<i32>} : memref<4x128xi32, #tpu.memory_space<vmem>>, vector<1x16xi32>,
    %swap3A_281 = vector.shape_cast %swap3A_280 : vector<1x16xi32> to vector<16xi32>
    %swap3A_282 = vector.shape_cast %add3A_272 : vector<16xi32> to vector<1x16xi32>
    tpu.vector_store %arg7[%swap3A_278, %swap3A_279], %swap3A_282 {strides = array<i32>} : memref<4x128xi32, #tpu.memory_space<vmem>>, vector<1x16xi32>,
    %swap3A_283 = arith.constant 0 : i32
    %swap3A_284 = arith.index_cast %swap3A_283 : i32 to index
    %swap3A_285 = arith.constant 112 : index
    %swap3A_286 = tpu.vector_load %arg8[%swap3A_284, %swap3A_285] {strides = array<i32>} : memref<4x128xi32, #tpu.memory_space<vmem>>, vector<1x16xi32>,
    %swap3A_287 = vector.shape_cast %swap3A_286 : vector<1x16xi32> to vector<16xi32>
    %swap3A_288 = vector.shape_cast %add3A_276 : vector<16xi32> to vector<1x16xi32>
    tpu.vector_store %arg8[%swap3A_284, %swap3A_285], %swap3A_288 {strides = array<i32>} : memref<4x128xi32, #tpu.memory_space<vmem>>, vector<1x16xi32>,
    %get3A_289 = arith.constant 136 : index
    %get3A_290 = tpu.vector_load %arg6[%get3A_289] {strides = array<i32>} : memref<520xi32, #tpu.memory_space<vmem>>, vector<16xi32>,
    %get3A_291 = vector.shape_cast %get3A_290 : vector<16xi32> to vector<16xi32>
    %get3A_292 = arith.constant 135 : index
    %get3A_293 = tpu.vector_load %arg6[%get3A_292] {strides = array<i32>} : memref<520xi32, #tpu.memory_space<vmem>>, vector<16xi32>,
    %get3A_294 = vector.shape_cast %get3A_293 : vector<16xi32> to vector<16xi32>
    %add3A_295 = arith.constant 128 : i32
    %add3A_296 = vector.broadcast %add3A_295 : i32 to vector<16xi32>
    %add3A_297 = arith.addi %add3A_296, %iota3A : vector<16xi32>
    %mul3A_298 = arith.constant 128 : i32
    %mul3A_299 = vector.broadcast %mul3A_298 : i32 to vector<16xi32>
    %mul3A_300 = arith.muli %add3A_297, %mul3A_299 : vector<16xi32>
    %add3A_301 = vector.broadcast %mul3A_37 : i32 to vector<16xi32>
    %add3A_302 = arith.addi %add3A_301, %mul3A_300 : vector<16xi32>
    %add3A_303 = arith.addi %add3A_302, %get3A_291 : vector<16xi32>
    %mul3A_304 = arith.constant 128 : i32
    %mul3A_305 = vector.broadcast %mul3A_304 : i32 to vector<16xi32>
    %mul3A_306 = arith.muli %get3A_294, %mul3A_305 : vector<16xi32>
    %add3A_307 = arith.addi %mul3A_306, %get3A_291 : vector<16xi32>
    %swap3A_308 = arith.constant 1 : i32
    %swap3A_309 = arith.index_cast %swap3A_308 : i32 to index
    %swap3A_310 = arith.constant 0 : index
    %swap3A_311 = tpu.vector_load %arg7[%swap3A_309, %swap3A_310] {strides = array<i32>} : memref<4x128xi32, #tpu.memory_space<vmem>>, vector<1x16xi32>,
    %swap3A_312 = vector.shape_cast %swap3A_311 : vector<1x16xi32> to vector<16xi32>
    %swap3A_313 = vector.shape_cast %add3A_303 : vector<16xi32> to vector<1x16xi32>
    tpu.vector_store %arg7[%swap3A_309, %swap3A_310], %swap3A_313 {strides = array<i32>} : memref<4x128xi32, #tpu.memory_space<vmem>>, vector<1x16xi32>,
    %swap3A_314 = arith.constant 1 : i32
    %swap3A_315 = arith.index_cast %swap3A_314 : i32 to index
    %swap3A_316 = arith.constant 0 : index
    %swap3A_317 = tpu.vector_load %arg8[%swap3A_315, %swap3A_316] {strides = array<i32>} : memref<4x128xi32, #tpu.memory_space<vmem>>, vector<1x16xi32>,
    %swap3A_318 = vector.shape_cast %swap3A_317 : vector<1x16xi32> to vector<16xi32>
    %swap3A_319 = vector.shape_cast %add3A_307 : vector<16xi32> to vector<1x16xi32>
    tpu.vector_store %arg8[%swap3A_315, %swap3A_316], %swap3A_319 {strides = array<i32>} : memref<4x128xi32, #tpu.memory_space<vmem>>, vector<1x16xi32>,
    %get3A_320 = arith.constant 152 : index
    %get3A_321 = tpu.vector_load %arg6[%get3A_320] {strides = array<i32>} : memref<520xi32, #tpu.memory_space<vmem>>, vector<16xi32>,
    %get3A_322 = vector.shape_cast %get3A_321 : vector<16xi32> to vector<16xi32>
    %get3A_323 = arith.constant 151 : index
    %get3A_324 = tpu.vector_load %arg6[%get3A_323] {strides = array<i32>} : memref<520xi32, #tpu.memory_space<vmem>>, vector<16xi32>,
    %get3A_325 = vector.shape_cast %get3A_324 : vector<16xi32> to vector<16xi32>
    %add3A_326 = arith.constant 144 : i32
    %add3A_327 = vector.broadcast %add3A_326 : i32 to vector<16xi32>
    %add3A_328 = arith.addi %add3A_327, %iota3A : vector<16xi32>
    %mul3A_329 = arith.constant 128 : i32
    %mul3A_330 = vector.broadcast %mul3A_329 : i32 to vector<16xi32>
    %mul3A_331 = arith.muli %add3A_328, %mul3A_330 : vector<16xi32>
    %add3A_332 = vector.broadcast %mul3A_37 : i32 to vector<16xi32>
    %add3A_333 = arith.addi %add3A_332, %mul3A_331 : vector<16xi32>
    %add3A_334 = arith.addi %add3A_333, %get3A_322 : vector<16xi32>
    %mul3A_335 = arith.constant 128 : i32
    %mul3A_336 = vector.broadcast %mul3A_335 : i32 to vector<16xi32>
    %mul3A_337 = arith.muli %get3A_325, %mul3A_336 : vector<16xi32>
    %add3A_338 = arith.addi %mul3A_337, %get3A_322 : vector<16xi32>
    %swap3A_339 = arith.constant 1 : i32
    %swap3A_340 = arith.index_cast %swap3A_339 : i32 to index
    %swap3A_341 = arith.constant 16 : index
    %swap3A_342 = tpu.vector_load %arg7[%swap3A_340, %swap3A_341] {strides = array<i32>} : memref<4x128xi32, #tpu.memory_space<vmem>>, vector<1x16xi32>,
    %swap3A_343 = vector.shape_cast %swap3A_342 : vector<1x16xi32> to vector<16xi32>
    %swap3A_344 = vector.shape_cast %add3A_334 : vector<16xi32> to vector<1x16xi32>
    tpu.vector_store %arg7[%swap3A_340, %swap3A_341], %swap3A_344 {strides = array<i32>} : memref<4x128xi32, #tpu.memory_space<vmem>>, vector<1x16xi32>,
    %swap3A_345 = arith.constant 1 : i32
    %swap3A_346 = arith.index_cast %swap3A_345 : i32 to index
    %swap3A_347 = arith.constant 16 : index
    %swap3A_348 = tpu.vector_load %arg8[%swap3A_346, %swap3A_347] {strides = array<i32>} : memref<4x128xi32, #tpu.memory_space<vmem>>, vector<1x16xi32>,
    %swap3A_349 = vector.shape_cast %swap3A_348 : vector<1x16xi32> to vector<16xi32>
    %swap3A_350 = vector.shape_cast %add3A_338 : vector<16xi32> to vector<1x16xi32>
    tpu.vector_store %arg8[%swap3A_346, %swap3A_347], %swap3A_350 {strides = array<i32>} : memref<4x128xi32, #tpu.memory_space<vmem>>, vector<1x16xi32>,
    %get3A_351 = arith.constant 168 : index
    %get3A_352 = tpu.vector_load %arg6[%get3A_351] {strides = array<i32>} : memref<520xi32, #tpu.memory_space<vmem>>, vector<16xi32>,
    %get3A_353 = vector.shape_cast %get3A_352 : vector<16xi32> to vector<16xi32>
    %get3A_354 = arith.constant 167 : index
    %get3A_355 = tpu.vector_load %arg6[%get3A_354] {strides = array<i32>} : memref<520xi32, #tpu.memory_space<vmem>>, vector<16xi32>,
    %get3A_356 = vector.shape_cast %get3A_355 : vector<16xi32> to vector<16xi32>
    %add3A_357 = arith.constant 160 : i32
    %add3A_358 = vector.broadcast %add3A_357 : i32 to vector<16xi32>
    %add3A_359 = arith.addi %add3A_358, %iota3A : vector<16xi32>
    %mul3A_360 = arith.constant 128 : i32
    %mul3A_361 = vector.broadcast %mul3A_360 : i32 to vector<16xi32>
    %mul3A_362 = arith.muli %add3A_359, %mul3A_361 : vector<16xi32>
    %add3A_363 = vector.broadcast %mul3A_37 : i32 to vector<16xi32>
    %add3A_364 = arith.addi %add3A_363, %mul3A_362 : vector<16xi32>
    %add3A_365 = arith.addi %add3A_364, %get3A_353 : vector<16xi32>
    %mul3A_366 = arith.constant 128 : i32
    %mul3A_367 = vector.broadcast %mul3A_366 : i32 to vector<16xi32>
    %mul3A_368 = arith.muli %get3A_356, %mul3A_367 : vector<16xi32>
    %add3A_369 = arith.addi %mul3A_368, %get3A_353 : vector<16xi32>
    %swap3A_370 = arith.constant 1 : i32
    %swap3A_371 = arith.index_cast %swap3A_370 : i32 to index
    %swap3A_372 = arith.constant 32 : index
    %swap3A_373 = tpu.vector_load %arg7[%swap3A_371, %swap3A_372] {strides = array<i32>} : memref<4x128xi32, #tpu.memory_space<vmem>>, vector<1x16xi32>,
    %swap3A_374 = vector.shape_cast %swap3A_373 : vector<1x16xi32> to vector<16xi32>
    %swap3A_375 = vector.shape_cast %add3A_365 : vector<16xi32> to vector<1x16xi32>
    tpu.vector_store %arg7[%swap3A_371, %swap3A_372], %swap3A_375 {strides = array<i32>} : memref<4x128xi32, #tpu.memory_space<vmem>>, vector<1x16xi32>,
    %swap3A_376 = arith.constant 1 : i32
    %swap3A_377 = arith.index_cast %swap3A_376 : i32 to index
    %swap3A_378 = arith.constant 32 : index
    %swap3A_379 = tpu.vector_load %arg8[%swap3A_377, %swap3A_378] {strides = array<i32>} : memref<4x128xi32, #tpu.memory_space<vmem>>, vector<1x16xi32>,
    %swap3A_380 = vector.shape_cast %swap3A_379 : vector<1x16xi32> to vector<16xi32>
    %swap3A_381 = vector.shape_cast %add3A_369 : vector<16xi32> to vector<1x16xi32>
    tpu.vector_store %arg8[%swap3A_377, %swap3A_378], %swap3A_381 {strides = array<i32>} : memref<4x128xi32, #tpu.memory_space<vmem>>, vector<1x16xi32>,
    %get3A_382 = arith.constant 184 : index
    %get3A_383 = tpu.vector_load %arg6[%get3A_382] {strides = array<i32>} : memref<520xi32, #tpu.memory_space<vmem>>, vector<16xi32>,
    %get3A_384 = vector.shape_cast %get3A_383 : vector<16xi32> to vector<16xi32>
    %get3A_385 = arith.constant 183 : index
    %get3A_386 = tpu.vector_load %arg6[%get3A_385] {strides = array<i32>} : memref<520xi32, #tpu.memory_space<vmem>>, vector<16xi32>,
    %get3A_387 = vector.shape_cast %get3A_386 : vector<16xi32> to vector<16xi32>
    %add3A_388 = arith.constant 176 : i32
    %add3A_389 = vector.broadcast %add3A_388 : i32 to vector<16xi32>
    %add3A_390 = arith.addi %add3A_389, %iota3A : vector<16xi32>
    %mul3A_391 = arith.constant 128 : i32
    %mul3A_392 = vector.broadcast %mul3A_391 : i32 to vector<16xi32>
    %mul3A_393 = arith.muli %add3A_390, %mul3A_392 : vector<16xi32>
    %add3A_394 = vector.broadcast %mul3A_37 : i32 to vector<16xi32>
    %add3A_395 = arith.addi %add3A_394, %mul3A_393 : vector<16xi32>
    %add3A_396 = arith.addi %add3A_395, %get3A_384 : vector<16xi32>
    %mul3A_397 = arith.constant 128 : i32
    %mul3A_398 = vector.broadcast %mul3A_397 : i32 to vector<16xi32>
    %mul3A_399 = arith.muli %get3A_387, %mul3A_398 : vector<16xi32>
    %add3A_400 = arith.addi %mul3A_399, %get3A_384 : vector<16xi32>
    %swap3A_401 = arith.constant 1 : i32
    %swap3A_402 = arith.index_cast %swap3A_401 : i32 to index
    %swap3A_403 = arith.constant 48 : index
    %swap3A_404 = tpu.vector_load %arg7[%swap3A_402, %swap3A_403] {strides = array<i32>} : memref<4x128xi32, #tpu.memory_space<vmem>>, vector<1x16xi32>,
    %swap3A_405 = vector.shape_cast %swap3A_404 : vector<1x16xi32> to vector<16xi32>
    %swap3A_406 = vector.shape_cast %add3A_396 : vector<16xi32> to vector<1x16xi32>
    tpu.vector_store %arg7[%swap3A_402, %swap3A_403], %swap3A_406 {strides = array<i32>} : memref<4x128xi32, #tpu.memory_space<vmem>>, vector<1x16xi32>,
    %swap3A_407 = arith.constant 1 : i32
    %swap3A_408 = arith.index_cast %swap3A_407 : i32 to index
    %swap3A_409 = arith.constant 48 : index
    %swap3A_410 = tpu.vector_load %arg8[%swap3A_408, %swap3A_409] {strides = array<i32>} : memref<4x128xi32, #tpu.memory_space<vmem>>, vector<1x16xi32>,
    %swap3A_411 = vector.shape_cast %swap3A_410 : vector<1x16xi32> to vector<16xi32>
    %swap3A_412 = vector.shape_cast %add3A_400 : vector<16xi32> to vector<1x16xi32>
    tpu.vector_store %arg8[%swap3A_408, %swap3A_409], %swap3A_412 {strides = array<i32>} : memref<4x128xi32, #tpu.memory_space<vmem>>, vector<1x16xi32>,
    %get3A_413 = arith.constant 200 : index
    %get3A_414 = tpu.vector_load %arg6[%get3A_413] {strides = array<i32>} : memref<520xi32, #tpu.memory_space<vmem>>, vector<16xi32>,
    %get3A_415 = vector.shape_cast %get3A_414 : vector<16xi32> to vector<16xi32>
    %get3A_416 = arith.constant 199 : index
    %get3A_417 = tpu.vector_load %arg6[%get3A_416] {strides = array<i32>} : memref<520xi32, #tpu.memory_space<vmem>>, vector<16xi32>,
    %get3A_418 = vector.shape_cast %get3A_417 : vector<16xi32> to vector<16xi32>
    %add3A_419 = arith.constant 192 : i32
    %add3A_420 = vector.broadcast %add3A_419 : i32 to vector<16xi32>
    %add3A_421 = arith.addi %add3A_420, %iota3A : vector<16xi32>
    %mul3A_422 = arith.constant 128 : i32
    %mul3A_423 = vector.broadcast %mul3A_422 : i32 to vector<16xi32>
    %mul3A_424 = arith.muli %add3A_421, %mul3A_423 : vector<16xi32>
    %add3A_425 = vector.broadcast %mul3A_37 : i32 to vector<16xi32>
    %add3A_426 = arith.addi %add3A_425, %mul3A_424 : vector<16xi32>
    %add3A_427 = arith.addi %add3A_426, %get3A_415 : vector<16xi32>
    %mul3A_428 = arith.constant 128 : i32
    %mul3A_429 = vector.broadcast %mul3A_428 : i32 to vector<16xi32>
    %mul3A_430 = arith.muli %get3A_418, %mul3A_429 : vector<16xi32>
    %add3A_431 = arith.addi %mul3A_430, %get3A_415 : vector<16xi32>
    %swap3A_432 = arith.constant 1 : i32
    %swap3A_433 = arith.index_cast %swap3A_432 : i32 to index
    %swap3A_434 = arith.constant 64 : index
    %swap3A_435 = tpu.vector_load %arg7[%swap3A_433, %swap3A_434] {strides = array<i32>} : memref<4x128xi32, #tpu.memory_space<vmem>>, vector<1x16xi32>,
    %swap3A_436 = vector.shape_cast %swap3A_435 : vector<1x16xi32> to vector<16xi32>
    %swap3A_437 = vector.shape_cast %add3A_427 : vector<16xi32> to vector<1x16xi32>
    tpu.vector_store %arg7[%swap3A_433, %swap3A_434], %swap3A_437 {strides = array<i32>} : memref<4x128xi32, #tpu.memory_space<vmem>>, vector<1x16xi32>,
    %swap3A_438 = arith.constant 1 : i32
    %swap3A_439 = arith.index_cast %swap3A_438 : i32 to index
    %swap3A_440 = arith.constant 64 : index
    %swap3A_441 = tpu.vector_load %arg8[%swap3A_439, %swap3A_440] {strides = array<i32>} : memref<4x128xi32, #tpu.memory_space<vmem>>, vector<1x16xi32>,
    %swap3A_442 = vector.shape_cast %swap3A_441 : vector<1x16xi32> to vector<16xi32>
    %swap3A_443 = vector.shape_cast %add3A_431 : vector<16xi32> to vector<1x16xi32>
    tpu.vector_store %arg8[%swap3A_439, %swap3A_440], %swap3A_443 {strides = array<i32>} : memref<4x128xi32, #tpu.memory_space<vmem>>, vector<1x16xi32>,
    %get3A_444 = arith.constant 216 : index
    %get3A_445 = tpu.vector_load %arg6[%get3A_444] {strides = array<i32>} : memref<520xi32, #tpu.memory_space<vmem>>, vector<16xi32>,
    %get3A_446 = vector.shape_cast %get3A_445 : vector<16xi32> to vector<16xi32>
    %get3A_447 = arith.constant 215 : index
    %get3A_448 = tpu.vector_load %arg6[%get3A_447] {strides = array<i32>} : memref<520xi32, #tpu.memory_space<vmem>>, vector<16xi32>,
    %get3A_449 = vector.shape_cast %get3A_448 : vector<16xi32> to vector<16xi32>
    %add3A_450 = arith.constant 208 : i32
    %add3A_451 = vector.broadcast %add3A_450 : i32 to vector<16xi32>
    %add3A_452 = arith.addi %add3A_451, %iota3A : vector<16xi32>
    %mul3A_453 = arith.constant 128 : i32
    %mul3A_454 = vector.broadcast %mul3A_453 : i32 to vector<16xi32>
    %mul3A_455 = arith.muli %add3A_452, %mul3A_454 : vector<16xi32>
    %add3A_456 = vector.broadcast %mul3A_37 : i32 to vector<16xi32>
    %add3A_457 = arith.addi %add3A_456, %mul3A_455 : vector<16xi32>
    %add3A_458 = arith.addi %add3A_457, %get3A_446 : vector<16xi32>
    %mul3A_459 = arith.constant 128 : i32
    %mul3A_460 = vector.broadcast %mul3A_459 : i32 to vector<16xi32>
    %mul3A_461 = arith.muli %get3A_449, %mul3A_460 : vector<16xi32>
    %add3A_462 = arith.addi %mul3A_461, %get3A_446 : vector<16xi32>
    %swap3A_463 = arith.constant 1 : i32
    %swap3A_464 = arith.index_cast %swap3A_463 : i32 to index
    %swap3A_465 = arith.constant 80 : index
    %swap3A_466 = tpu.vector_load %arg7[%swap3A_464, %swap3A_465] {strides = array<i32>} : memref<4x128xi32, #tpu.memory_space<vmem>>, vector<1x16xi32>,
    %swap3A_467 = vector.shape_cast %swap3A_466 : vector<1x16xi32> to vector<16xi32>
    %swap3A_468 = vector.shape_cast %add3A_458 : vector<16xi32> to vector<1x16xi32>
    tpu.vector_store %arg7[%swap3A_464, %swap3A_465], %swap3A_468 {strides = array<i32>} : memref<4x128xi32, #tpu.memory_space<vmem>>, vector<1x16xi32>,
    %swap3A_469 = arith.constant 1 : i32
    %swap3A_470 = arith.index_cast %swap3A_469 : i32 to index
    %swap3A_471 = arith.constant 80 : index
    %swap3A_472 = tpu.vector_load %arg8[%swap3A_470, %swap3A_471] {strides = array<i32>} : memref<4x128xi32, #tpu.memory_space<vmem>>, vector<1x16xi32>,
    %swap3A_473 = vector.shape_cast %swap3A_472 : vector<1x16xi32> to vector<16xi32>
    %swap3A_474 = vector.shape_cast %add3A_462 : vector<16xi32> to vector<1x16xi32>
    tpu.vector_store %arg8[%swap3A_470, %swap3A_471], %swap3A_474 {strides = array<i32>} : memref<4x128xi32, #tpu.memory_space<vmem>>, vector<1x16xi32>,
    %get3A_475 = arith.constant 232 : index
    %get3A_476 = tpu.vector_load %arg6[%get3A_475] {strides = array<i32>} : memref<520xi32, #tpu.memory_space<vmem>>, vector<16xi32>,
    %get3A_477 = vector.shape_cast %get3A_476 : vector<16xi32> to vector<16xi32>
    %get3A_478 = arith.constant 231 : index
    %get3A_479 = tpu.vector_load %arg6[%get3A_478] {strides = array<i32>} : memref<520xi32, #tpu.memory_space<vmem>>, vector<16xi32>,
    %get3A_480 = vector.shape_cast %get3A_479 : vector<16xi32> to vector<16xi32>
    %add3A_481 = arith.constant 224 : i32
    %add3A_482 = vector.broadcast %add3A_481 : i32 to vector<16xi32>
    %add3A_483 = arith.addi %add3A_482, %iota3A : vector<16xi32>
    %mul3A_484 = arith.constant 128 : i32
    %mul3A_485 = vector.broadcast %mul3A_484 : i32 to vector<16xi32>
    %mul3A_486 = arith.muli %add3A_483, %mul3A_485 : vector<16xi32>
    %add3A_487 = vector.broadcast %mul3A_37 : i32 to vector<16xi32>
    %add3A_488 = arith.addi %add3A_487, %mul3A_486 : vector<16xi32>
    %add3A_489 = arith.addi %add3A_488, %get3A_477 : vector<16xi32>
    %mul3A_490 = arith.constant 128 : i32
    %mul3A_491 = vector.broadcast %mul3A_490 : i32 to vector<16xi32>
    %mul3A_492 = arith.muli %get3A_480, %mul3A_491 : vector<16xi32>
    %add3A_493 = arith.addi %mul3A_492, %get3A_477 : vector<16xi32>
    %swap3A_494 = arith.constant 1 : i32
    %swap3A_495 = arith.index_cast %swap3A_494 : i32 to index
    %swap3A_496 = arith.constant 96 : index
    %swap3A_497 = tpu.vector_load %arg7[%swap3A_495, %swap3A_496] {strides = array<i32>} : memref<4x128xi32, #tpu.memory_space<vmem>>, vector<1x16xi32>,
    %swap3A_498 = vector.shape_cast %swap3A_497 : vector<1x16xi32> to vector<16xi32>
    %swap3A_499 = vector.shape_cast %add3A_489 : vector<16xi32> to vector<1x16xi32>
    tpu.vector_store %arg7[%swap3A_495, %swap3A_496], %swap3A_499 {strides = array<i32>} : memref<4x128xi32, #tpu.memory_space<vmem>>, vector<1x16xi32>,
    %swap3A_500 = arith.constant 1 : i32
    %swap3A_501 = arith.index_cast %swap3A_500 : i32 to index
    %swap3A_502 = arith.constant 96 : index
    %swap3A_503 = tpu.vector_load %arg8[%swap3A_501, %swap3A_502] {strides = array<i32>} : memref<4x128xi32, #tpu.memory_space<vmem>>, vector<1x16xi32>,
    %swap3A_504 = vector.shape_cast %swap3A_503 : vector<1x16xi32> to vector<16xi32>
    %swap3A_505 = vector.shape_cast %add3A_493 : vector<16xi32> to vector<1x16xi32>
    tpu.vector_store %arg8[%swap3A_501, %swap3A_502], %swap3A_505 {strides = array<i32>} : memref<4x128xi32, #tpu.memory_space<vmem>>, vector<1x16xi32>,
    %get3A_506 = arith.constant 248 : index
    %get3A_507 = tpu.vector_load %arg6[%get3A_506] {strides = array<i32>} : memref<520xi32, #tpu.memory_space<vmem>>, vector<16xi32>,
    %get3A_508 = vector.shape_cast %get3A_507 : vector<16xi32> to vector<16xi32>
    %get3A_509 = arith.constant 247 : index
    %get3A_510 = tpu.vector_load %arg6[%get3A_509] {strides = array<i32>} : memref<520xi32, #tpu.memory_space<vmem>>, vector<16xi32>,
    %get3A_511 = vector.shape_cast %get3A_510 : vector<16xi32> to vector<16xi32>
    %add3A_512 = arith.constant 240 : i32
    %add3A_513 = vector.broadcast %add3A_512 : i32 to vector<16xi32>
    %add3A_514 = arith.addi %add3A_513, %iota3A : vector<16xi32>
    %mul3A_515 = arith.constant 128 : i32
    %mul3A_516 = vector.broadcast %mul3A_515 : i32 to vector<16xi32>
    %mul3A_517 = arith.muli %add3A_514, %mul3A_516 : vector<16xi32>
    %add3A_518 = vector.broadcast %mul3A_37 : i32 to vector<16xi32>
    %add3A_519 = arith.addi %add3A_518, %mul3A_517 : vector<16xi32>
    %add3A_520 = arith.addi %add3A_519, %get3A_508 : vector<16xi32>
    %mul3A_521 = arith.constant 128 : i32
    %mul3A_522 = vector.broadcast %mul3A_521 : i32 to vector<16xi32>
    %mul3A_523 = arith.muli %get3A_511, %mul3A_522 : vector<16xi32>
    %add3A_524 = arith.addi %mul3A_523, %get3A_508 : vector<16xi32>
    %swap3A_525 = arith.constant 1 : i32
    %swap3A_526 = arith.index_cast %swap3A_525 : i32 to index
    %swap3A_527 = arith.constant 112 : index
    %swap3A_528 = tpu.vector_load %arg7[%swap3A_526, %swap3A_527] {strides = array<i32>} : memref<4x128xi32, #tpu.memory_space<vmem>>, vector<1x16xi32>,
    %swap3A_529 = vector.shape_cast %swap3A_528 : vector<1x16xi32> to vector<16xi32>
    %swap3A_530 = vector.shape_cast %add3A_520 : vector<16xi32> to vector<1x16xi32>
    tpu.vector_store %arg7[%swap3A_526, %swap3A_527], %swap3A_530 {strides = array<i32>} : memref<4x128xi32, #tpu.memory_space<vmem>>, vector<1x16xi32>,
    %swap3A_531 = arith.constant 1 : i32
    %swap3A_532 = arith.index_cast %swap3A_531 : i32 to index
    %swap3A_533 = arith.constant 112 : index
    %swap3A_534 = tpu.vector_load %arg8[%swap3A_532, %swap3A_533] {strides = array<i32>} : memref<4x128xi32, #tpu.memory_space<vmem>>, vector<1x16xi32>,
    %swap3A_535 = vector.shape_cast %swap3A_534 : vector<1x16xi32> to vector<16xi32>
    %swap3A_536 = vector.shape_cast %add3A_524 : vector<16xi32> to vector<1x16xi32>
    tpu.vector_store %arg8[%swap3A_532, %swap3A_533], %swap3A_536 {strides = array<i32>} : memref<4x128xi32, #tpu.memory_space<vmem>>, vector<1x16xi32>,
    %get3A_537 = arith.constant 264 : index
    %get3A_538 = tpu.vector_load %arg6[%get3A_537] {strides = array<i32>} : memref<520xi32, #tpu.memory_space<vmem>>, vector<16xi32>,
    %get3A_539 = vector.shape_cast %get3A_538 : vector<16xi32> to vector<16xi32>
    %get3A_540 = arith.constant 263 : index
    %get3A_541 = tpu.vector_load %arg6[%get3A_540] {strides = array<i32>} : memref<520xi32, #tpu.memory_space<vmem>>, vector<16xi32>,
    %get3A_542 = vector.shape_cast %get3A_541 : vector<16xi32> to vector<16xi32>
    %add3A_543 = arith.constant 256 : i32
    %add3A_544 = vector.broadcast %add3A_543 : i32 to vector<16xi32>
    %add3A_545 = arith.addi %add3A_544, %iota3A : vector<16xi32>
    %mul3A_546 = arith.constant 128 : i32
    %mul3A_547 = vector.broadcast %mul3A_546 : i32 to vector<16xi32>
    %mul3A_548 = arith.muli %add3A_545, %mul3A_547 : vector<16xi32>
    %add3A_549 = vector.broadcast %mul3A_37 : i32 to vector<16xi32>
    %add3A_550 = arith.addi %add3A_549, %mul3A_548 : vector<16xi32>
    %add3A_551 = arith.addi %add3A_550, %get3A_539 : vector<16xi32>
    %mul3A_552 = arith.constant 128 : i32
    %mul3A_553 = vector.broadcast %mul3A_552 : i32 to vector<16xi32>
    %mul3A_554 = arith.muli %get3A_542, %mul3A_553 : vector<16xi32>
    %add3A_555 = arith.addi %mul3A_554, %get3A_539 : vector<16xi32>
    %swap3A_556 = arith.constant 2 : i32
    %swap3A_557 = arith.index_cast %swap3A_556 : i32 to index
    %swap3A_558 = arith.constant 0 : index
    %swap3A_559 = tpu.vector_load %arg7[%swap3A_557, %swap3A_558] {strides = array<i32>} : memref<4x128xi32, #tpu.memory_space<vmem>>, vector<1x16xi32>,
    %swap3A_560 = vector.shape_cast %swap3A_559 : vector<1x16xi32> to vector<16xi32>
    %swap3A_561 = vector.shape_cast %add3A_551 : vector<16xi32> to vector<1x16xi32>
    tpu.vector_store %arg7[%swap3A_557, %swap3A_558], %swap3A_561 {strides = array<i32>} : memref<4x128xi32, #tpu.memory_space<vmem>>, vector<1x16xi32>,
    %swap3A_562 = arith.constant 2 : i32
    %swap3A_563 = arith.index_cast %swap3A_562 : i32 to index
    %swap3A_564 = arith.constant 0 : index
    %swap3A_565 = tpu.vector_load %arg8[%swap3A_563, %swap3A_564] {strides = array<i32>} : memref<4x128xi32, #tpu.memory_space<vmem>>, vector<1x16xi32>,
    %swap3A_566 = vector.shape_cast %swap3A_565 : vector<1x16xi32> to vector<16xi32>
    %swap3A_567 = vector.shape_cast %add3A_555 : vector<16xi32> to vector<1x16xi32>
    tpu.vector_store %arg8[%swap3A_563, %swap3A_564], %swap3A_567 {strides = array<i32>} : memref<4x128xi32, #tpu.memory_space<vmem>>, vector<1x16xi32>,
    %get3A_568 = arith.constant 280 : index
    %get3A_569 = tpu.vector_load %arg6[%get3A_568] {strides = array<i32>} : memref<520xi32, #tpu.memory_space<vmem>>, vector<16xi32>,
    %get3A_570 = vector.shape_cast %get3A_569 : vector<16xi32> to vector<16xi32>
    %get3A_571 = arith.constant 279 : index
    %get3A_572 = tpu.vector_load %arg6[%get3A_571] {strides = array<i32>} : memref<520xi32, #tpu.memory_space<vmem>>, vector<16xi32>,
    %get3A_573 = vector.shape_cast %get3A_572 : vector<16xi32> to vector<16xi32>
    %add3A_574 = arith.constant 272 : i32
    %add3A_575 = vector.broadcast %add3A_574 : i32 to vector<16xi32>
    %add3A_576 = arith.addi %add3A_575, %iota3A : vector<16xi32>
    %mul3A_577 = arith.constant 128 : i32
    %mul3A_578 = vector.broadcast %mul3A_577 : i32 to vector<16xi32>
    %mul3A_579 = arith.muli %add3A_576, %mul3A_578 : vector<16xi32>
    %add3A_580 = vector.broadcast %mul3A_37 : i32 to vector<16xi32>
    %add3A_581 = arith.addi %add3A_580, %mul3A_579 : vector<16xi32>
    %add3A_582 = arith.addi %add3A_581, %get3A_570 : vector<16xi32>
    %mul3A_583 = arith.constant 128 : i32
    %mul3A_584 = vector.broadcast %mul3A_583 : i32 to vector<16xi32>
    %mul3A_585 = arith.muli %get3A_573, %mul3A_584 : vector<16xi32>
    %add3A_586 = arith.addi %mul3A_585, %get3A_570 : vector<16xi32>
    %swap3A_587 = arith.constant 2 : i32
    %swap3A_588 = arith.index_cast %swap3A_587 : i32 to index
    %swap3A_589 = arith.constant 16 : index
    %swap3A_590 = tpu.vector_load %arg7[%swap3A_588, %swap3A_589] {strides = array<i32>} : memref<4x128xi32, #tpu.memory_space<vmem>>, vector<1x16xi32>,
    %swap3A_591 = vector.shape_cast %swap3A_590 : vector<1x16xi32> to vector<16xi32>
    %swap3A_592 = vector.shape_cast %add3A_582 : vector<16xi32> to vector<1x16xi32>
    tpu.vector_store %arg7[%swap3A_588, %swap3A_589], %swap3A_592 {strides = array<i32>} : memref<4x128xi32, #tpu.memory_space<vmem>>, vector<1x16xi32>,
    %swap3A_593 = arith.constant 2 : i32
    %swap3A_594 = arith.index_cast %swap3A_593 : i32 to index
    %swap3A_595 = arith.constant 16 : index
    %swap3A_596 = tpu.vector_load %arg8[%swap3A_594, %swap3A_595] {strides = array<i32>} : memref<4x128xi32, #tpu.memory_space<vmem>>, vector<1x16xi32>,
    %swap3A_597 = vector.shape_cast %swap3A_596 : vector<1x16xi32> to vector<16xi32>
    %swap3A_598 = vector.shape_cast %add3A_586 : vector<16xi32> to vector<1x16xi32>
    tpu.vector_store %arg8[%swap3A_594, %swap3A_595], %swap3A_598 {strides = array<i32>} : memref<4x128xi32, #tpu.memory_space<vmem>>, vector<1x16xi32>,
    %get3A_599 = arith.constant 296 : index
    %get3A_600 = tpu.vector_load %arg6[%get3A_599] {strides = array<i32>} : memref<520xi32, #tpu.memory_space<vmem>>, vector<16xi32>,
    %get3A_601 = vector.shape_cast %get3A_600 : vector<16xi32> to vector<16xi32>
    %get3A_602 = arith.constant 295 : index
    %get3A_603 = tpu.vector_load %arg6[%get3A_602] {strides = array<i32>} : memref<520xi32, #tpu.memory_space<vmem>>, vector<16xi32>,
    %get3A_604 = vector.shape_cast %get3A_603 : vector<16xi32> to vector<16xi32>
    %add3A_605 = arith.constant 288 : i32
    %add3A_606 = vector.broadcast %add3A_605 : i32 to vector<16xi32>
    %add3A_607 = arith.addi %add3A_606, %iota3A : vector<16xi32>
    %mul3A_608 = arith.constant 128 : i32
    %mul3A_609 = vector.broadcast %mul3A_608 : i32 to vector<16xi32>
    %mul3A_610 = arith.muli %add3A_607, %mul3A_609 : vector<16xi32>
    %add3A_611 = vector.broadcast %mul3A_37 : i32 to vector<16xi32>
    %add3A_612 = arith.addi %add3A_611, %mul3A_610 : vector<16xi32>
    %add3A_613 = arith.addi %add3A_612, %get3A_601 : vector<16xi32>
    %mul3A_614 = arith.constant 128 : i32
    %mul3A_615 = vector.broadcast %mul3A_614 : i32 to vector<16xi32>
    %mul3A_616 = arith.muli %get3A_604, %mul3A_615 : vector<16xi32>
    %add3A_617 = arith.addi %mul3A_616, %get3A_601 : vector<16xi32>
    %swap3A_618 = arith.constant 2 : i32
    %swap3A_619 = arith.index_cast %swap3A_618 : i32 to index
    %swap3A_620 = arith.constant 32 : index
    %swap3A_621 = tpu.vector_load %arg7[%swap3A_619, %swap3A_620] {strides = array<i32>} : memref<4x128xi32, #tpu.memory_space<vmem>>, vector<1x16xi32>,
    %swap3A_622 = vector.shape_cast %swap3A_621 : vector<1x16xi32> to vector<16xi32>
    %swap3A_623 = vector.shape_cast %add3A_613 : vector<16xi32> to vector<1x16xi32>
    tpu.vector_store %arg7[%swap3A_619, %swap3A_620], %swap3A_623 {strides = array<i32>} : memref<4x128xi32, #tpu.memory_space<vmem>>, vector<1x16xi32>,
    %swap3A_624 = arith.constant 2 : i32
    %swap3A_625 = arith.index_cast %swap3A_624 : i32 to index
    %swap3A_626 = arith.constant 32 : index
    %swap3A_627 = tpu.vector_load %arg8[%swap3A_625, %swap3A_626] {strides = array<i32>} : memref<4x128xi32, #tpu.memory_space<vmem>>, vector<1x16xi32>,
    %swap3A_628 = vector.shape_cast %swap3A_627 : vector<1x16xi32> to vector<16xi32>
    %swap3A_629 = vector.shape_cast %add3A_617 : vector<16xi32> to vector<1x16xi32>
    tpu.vector_store %arg8[%swap3A_625, %swap3A_626], %swap3A_629 {strides = array<i32>} : memref<4x128xi32, #tpu.memory_space<vmem>>, vector<1x16xi32>,
    %get3A_630 = arith.constant 312 : index
    %get3A_631 = tpu.vector_load %arg6[%get3A_630] {strides = array<i32>} : memref<520xi32, #tpu.memory_space<vmem>>, vector<16xi32>,
    %get3A_632 = vector.shape_cast %get3A_631 : vector<16xi32> to vector<16xi32>
    %get3A_633 = arith.constant 311 : index
    %get3A_634 = tpu.vector_load %arg6[%get3A_633] {strides = array<i32>} : memref<520xi32, #tpu.memory_space<vmem>>, vector<16xi32>,
    %get3A_635 = vector.shape_cast %get3A_634 : vector<16xi32> to vector<16xi32>
    %add3A_636 = arith.constant 304 : i32
    %add3A_637 = vector.broadcast %add3A_636 : i32 to vector<16xi32>
    %add3A_638 = arith.addi %add3A_637, %iota3A : vector<16xi32>
    %mul3A_639 = arith.constant 128 : i32
    %mul3A_640 = vector.broadcast %mul3A_639 : i32 to vector<16xi32>
    %mul3A_641 = arith.muli %add3A_638, %mul3A_640 : vector<16xi32>
    %add3A_642 = vector.broadcast %mul3A_37 : i32 to vector<16xi32>
    %add3A_643 = arith.addi %add3A_642, %mul3A_641 : vector<16xi32>
    %add3A_644 = arith.addi %add3A_643, %get3A_632 : vector<16xi32>
    %mul3A_645 = arith.constant 128 : i32
    %mul3A_646 = vector.broadcast %mul3A_645 : i32 to vector<16xi32>
    %mul3A_647 = arith.muli %get3A_635, %mul3A_646 : vector<16xi32>
    %add3A_648 = arith.addi %mul3A_647, %get3A_632 : vector<16xi32>
    %swap3A_649 = arith.constant 2 : i32
    %swap3A_650 = arith.index_cast %swap3A_649 : i32 to index
    %swap3A_651 = arith.constant 48 : index
    %swap3A_652 = tpu.vector_load %arg7[%swap3A_650, %swap3A_651] {strides = array<i32>} : memref<4x128xi32, #tpu.memory_space<vmem>>, vector<1x16xi32>,
    %swap3A_653 = vector.shape_cast %swap3A_652 : vector<1x16xi32> to vector<16xi32>
    %swap3A_654 = vector.shape_cast %add3A_644 : vector<16xi32> to vector<1x16xi32>
    tpu.vector_store %arg7[%swap3A_650, %swap3A_651], %swap3A_654 {strides = array<i32>} : memref<4x128xi32, #tpu.memory_space<vmem>>, vector<1x16xi32>,
    %swap3A_655 = arith.constant 2 : i32
    %swap3A_656 = arith.index_cast %swap3A_655 : i32 to index
    %swap3A_657 = arith.constant 48 : index
    %swap3A_658 = tpu.vector_load %arg8[%swap3A_656, %swap3A_657] {strides = array<i32>} : memref<4x128xi32, #tpu.memory_space<vmem>>, vector<1x16xi32>,
    %swap3A_659 = vector.shape_cast %swap3A_658 : vector<1x16xi32> to vector<16xi32>
    %swap3A_660 = vector.shape_cast %add3A_648 : vector<16xi32> to vector<1x16xi32>
    tpu.vector_store %arg8[%swap3A_656, %swap3A_657], %swap3A_660 {strides = array<i32>} : memref<4x128xi32, #tpu.memory_space<vmem>>, vector<1x16xi32>,
    %get3A_661 = arith.constant 328 : index
    %get3A_662 = tpu.vector_load %arg6[%get3A_661] {strides = array<i32>} : memref<520xi32, #tpu.memory_space<vmem>>, vector<16xi32>,
    %get3A_663 = vector.shape_cast %get3A_662 : vector<16xi32> to vector<16xi32>
    %get3A_664 = arith.constant 327 : index
    %get3A_665 = tpu.vector_load %arg6[%get3A_664] {strides = array<i32>} : memref<520xi32, #tpu.memory_space<vmem>>, vector<16xi32>,
    %get3A_666 = vector.shape_cast %get3A_665 : vector<16xi32> to vector<16xi32>
    %add3A_667 = arith.constant 320 : i32
    %add3A_668 = vector.broadcast %add3A_667 : i32 to vector<16xi32>
    %add3A_669 = arith.addi %add3A_668, %iota3A : vector<16xi32>
    %mul3A_670 = arith.constant 128 : i32
    %mul3A_671 = vector.broadcast %mul3A_670 : i32 to vector<16xi32>
    %mul3A_672 = arith.muli %add3A_669, %mul3A_671 : vector<16xi32>
    %add3A_673 = vector.broadcast %mul3A_37 : i32 to vector<16xi32>
    %add3A_674 = arith.addi %add3A_673, %mul3A_672 : vector<16xi32>
    %add3A_675 = arith.addi %add3A_674, %get3A_663 : vector<16xi32>
    %mul3A_676 = arith.constant 128 : i32
    %mul3A_677 = vector.broadcast %mul3A_676 : i32 to vector<16xi32>
    %mul3A_678 = arith.muli %get3A_666, %mul3A_677 : vector<16xi32>
    %add3A_679 = arith.addi %mul3A_678, %get3A_663 : vector<16xi32>
    %swap3A_680 = arith.constant 2 : i32
    %swap3A_681 = arith.index_cast %swap3A_680 : i32 to index
    %swap3A_682 = arith.constant 64 : index
    %swap3A_683 = tpu.vector_load %arg7[%swap3A_681, %swap3A_682] {strides = array<i32>} : memref<4x128xi32, #tpu.memory_space<vmem>>, vector<1x16xi32>,
    %swap3A_684 = vector.shape_cast %swap3A_683 : vector<1x16xi32> to vector<16xi32>
    %swap3A_685 = vector.shape_cast %add3A_675 : vector<16xi32> to vector<1x16xi32>
    tpu.vector_store %arg7[%swap3A_681, %swap3A_682], %swap3A_685 {strides = array<i32>} : memref<4x128xi32, #tpu.memory_space<vmem>>, vector<1x16xi32>,
    %swap3A_686 = arith.constant 2 : i32
    %swap3A_687 = arith.index_cast %swap3A_686 : i32 to index
    %swap3A_688 = arith.constant 64 : index
    %swap3A_689 = tpu.vector_load %arg8[%swap3A_687, %swap3A_688] {strides = array<i32>} : memref<4x128xi32, #tpu.memory_space<vmem>>, vector<1x16xi32>,
    %swap3A_690 = vector.shape_cast %swap3A_689 : vector<1x16xi32> to vector<16xi32>
    %swap3A_691 = vector.shape_cast %add3A_679 : vector<16xi32> to vector<1x16xi32>
    tpu.vector_store %arg8[%swap3A_687, %swap3A_688], %swap3A_691 {strides = array<i32>} : memref<4x128xi32, #tpu.memory_space<vmem>>, vector<1x16xi32>,
    %get3A_692 = arith.constant 344 : index
    %get3A_693 = tpu.vector_load %arg6[%get3A_692] {strides = array<i32>} : memref<520xi32, #tpu.memory_space<vmem>>, vector<16xi32>,
    %get3A_694 = vector.shape_cast %get3A_693 : vector<16xi32> to vector<16xi32>
    %get3A_695 = arith.constant 343 : index
    %get3A_696 = tpu.vector_load %arg6[%get3A_695] {strides = array<i32>} : memref<520xi32, #tpu.memory_space<vmem>>, vector<16xi32>,
    %get3A_697 = vector.shape_cast %get3A_696 : vector<16xi32> to vector<16xi32>
    %add3A_698 = arith.constant 336 : i32
    %add3A_699 = vector.broadcast %add3A_698 : i32 to vector<16xi32>
    %add3A_700 = arith.addi %add3A_699, %iota3A : vector<16xi32>
    %mul3A_701 = arith.constant 128 : i32
    %mul3A_702 = vector.broadcast %mul3A_701 : i32 to vector<16xi32>
    %mul3A_703 = arith.muli %add3A_700, %mul3A_702 : vector<16xi32>
    %add3A_704 = vector.broadcast %mul3A_37 : i32 to vector<16xi32>
    %add3A_705 = arith.addi %add3A_704, %mul3A_703 : vector<16xi32>
    %add3A_706 = arith.addi %add3A_705, %get3A_694 : vector<16xi32>
    %mul3A_707 = arith.constant 128 : i32
    %mul3A_708 = vector.broadcast %mul3A_707 : i32 to vector<16xi32>
    %mul3A_709 = arith.muli %get3A_697, %mul3A_708 : vector<16xi32>
    %add3A_710 = arith.addi %mul3A_709, %get3A_694 : vector<16xi32>
    %swap3A_711 = arith.constant 2 : i32
    %swap3A_712 = arith.index_cast %swap3A_711 : i32 to index
    %swap3A_713 = arith.constant 80 : index
    %swap3A_714 = tpu.vector_load %arg7[%swap3A_712, %swap3A_713] {strides = array<i32>} : memref<4x128xi32, #tpu.memory_space<vmem>>, vector<1x16xi32>,
    %swap3A_715 = vector.shape_cast %swap3A_714 : vector<1x16xi32> to vector<16xi32>
    %swap3A_716 = vector.shape_cast %add3A_706 : vector<16xi32> to vector<1x16xi32>
    tpu.vector_store %arg7[%swap3A_712, %swap3A_713], %swap3A_716 {strides = array<i32>} : memref<4x128xi32, #tpu.memory_space<vmem>>, vector<1x16xi32>,
    %swap3A_717 = arith.constant 2 : i32
    %swap3A_718 = arith.index_cast %swap3A_717 : i32 to index
    %swap3A_719 = arith.constant 80 : index
    %swap3A_720 = tpu.vector_load %arg8[%swap3A_718, %swap3A_719] {strides = array<i32>} : memref<4x128xi32, #tpu.memory_space<vmem>>, vector<1x16xi32>,
    %swap3A_721 = vector.shape_cast %swap3A_720 : vector<1x16xi32> to vector<16xi32>
    %swap3A_722 = vector.shape_cast %add3A_710 : vector<16xi32> to vector<1x16xi32>
    tpu.vector_store %arg8[%swap3A_718, %swap3A_719], %swap3A_722 {strides = array<i32>} : memref<4x128xi32, #tpu.memory_space<vmem>>, vector<1x16xi32>,
    %get3A_723 = arith.constant 360 : index
    %get3A_724 = tpu.vector_load %arg6[%get3A_723] {strides = array<i32>} : memref<520xi32, #tpu.memory_space<vmem>>, vector<16xi32>,
    %get3A_725 = vector.shape_cast %get3A_724 : vector<16xi32> to vector<16xi32>
    %get3A_726 = arith.constant 359 : index
    %get3A_727 = tpu.vector_load %arg6[%get3A_726] {strides = array<i32>} : memref<520xi32, #tpu.memory_space<vmem>>, vector<16xi32>,
    %get3A_728 = vector.shape_cast %get3A_727 : vector<16xi32> to vector<16xi32>
    %add3A_729 = arith.constant 352 : i32
    %add3A_730 = vector.broadcast %add3A_729 : i32 to vector<16xi32>
    %add3A_731 = arith.addi %add3A_730, %iota3A : vector<16xi32>
    %mul3A_732 = arith.constant 128 : i32
    %mul3A_733 = vector.broadcast %mul3A_732 : i32 to vector<16xi32>
    %mul3A_734 = arith.muli %add3A_731, %mul3A_733 : vector<16xi32>
    %add3A_735 = vector.broadcast %mul3A_37 : i32 to vector<16xi32>
    %add3A_736 = arith.addi %add3A_735, %mul3A_734 : vector<16xi32>
    %add3A_737 = arith.addi %add3A_736, %get3A_725 : vector<16xi32>
    %mul3A_738 = arith.constant 128 : i32
    %mul3A_739 = vector.broadcast %mul3A_738 : i32 to vector<16xi32>
    %mul3A_740 = arith.muli %get3A_728, %mul3A_739 : vector<16xi32>
    %add3A_741 = arith.addi %mul3A_740, %get3A_725 : vector<16xi32>
    %swap3A_742 = arith.constant 2 : i32
    %swap3A_743 = arith.index_cast %swap3A_742 : i32 to index
    %swap3A_744 = arith.constant 96 : index
    %swap3A_745 = tpu.vector_load %arg7[%swap3A_743, %swap3A_744] {strides = array<i32>} : memref<4x128xi32, #tpu.memory_space<vmem>>, vector<1x16xi32>,
    %swap3A_746 = vector.shape_cast %swap3A_745 : vector<1x16xi32> to vector<16xi32>
    %swap3A_747 = vector.shape_cast %add3A_737 : vector<16xi32> to vector<1x16xi32>
    tpu.vector_store %arg7[%swap3A_743, %swap3A_744], %swap3A_747 {strides = array<i32>} : memref<4x128xi32, #tpu.memory_space<vmem>>, vector<1x16xi32>,
    %swap3A_748 = arith.constant 2 : i32
    %swap3A_749 = arith.index_cast %swap3A_748 : i32 to index
    %swap3A_750 = arith.constant 96 : index
    %swap3A_751 = tpu.vector_load %arg8[%swap3A_749, %swap3A_750] {strides = array<i32>} : memref<4x128xi32, #tpu.memory_space<vmem>>, vector<1x16xi32>,
    %swap3A_752 = vector.shape_cast %swap3A_751 : vector<1x16xi32> to vector<16xi32>
    %swap3A_753 = vector.shape_cast %add3A_741 : vector<16xi32> to vector<1x16xi32>
    tpu.vector_store %arg8[%swap3A_749, %swap3A_750], %swap3A_753 {strides = array<i32>} : memref<4x128xi32, #tpu.memory_space<vmem>>, vector<1x16xi32>,
    %get3A_754 = arith.constant 376 : index
    %get3A_755 = tpu.vector_load %arg6[%get3A_754] {strides = array<i32>} : memref<520xi32, #tpu.memory_space<vmem>>, vector<16xi32>,
    %get3A_756 = vector.shape_cast %get3A_755 : vector<16xi32> to vector<16xi32>
    %get3A_757 = arith.constant 375 : index
    %get3A_758 = tpu.vector_load %arg6[%get3A_757] {strides = array<i32>} : memref<520xi32, #tpu.memory_space<vmem>>, vector<16xi32>,
    %get3A_759 = vector.shape_cast %get3A_758 : vector<16xi32> to vector<16xi32>
    %add3A_760 = arith.constant 368 : i32
    %add3A_761 = vector.broadcast %add3A_760 : i32 to vector<16xi32>
    %add3A_762 = arith.addi %add3A_761, %iota3A : vector<16xi32>
    %mul3A_763 = arith.constant 128 : i32
    %mul3A_764 = vector.broadcast %mul3A_763 : i32 to vector<16xi32>
    %mul3A_765 = arith.muli %add3A_762, %mul3A_764 : vector<16xi32>
    %add3A_766 = vector.broadcast %mul3A_37 : i32 to vector<16xi32>
    %add3A_767 = arith.addi %add3A_766, %mul3A_765 : vector<16xi32>
    %add3A_768 = arith.addi %add3A_767, %get3A_756 : vector<16xi32>
    %mul3A_769 = arith.constant 128 : i32
    %mul3A_770 = vector.broadcast %mul3A_769 : i32 to vector<16xi32>
    %mul3A_771 = arith.muli %get3A_759, %mul3A_770 : vector<16xi32>
    %add3A_772 = arith.addi %mul3A_771, %get3A_756 : vector<16xi32>
    %swap3A_773 = arith.constant 2 : i32
    %swap3A_774 = arith.index_cast %swap3A_773 : i32 to index
    %swap3A_775 = arith.constant 112 : index
    %swap3A_776 = tpu.vector_load %arg7[%swap3A_774, %swap3A_775] {strides = array<i32>} : memref<4x128xi32, #tpu.memory_space<vmem>>, vector<1x16xi32>,
    %swap3A_777 = vector.shape_cast %swap3A_776 : vector<1x16xi32> to vector<16xi32>
    %swap3A_778 = vector.shape_cast %add3A_768 : vector<16xi32> to vector<1x16xi32>
    tpu.vector_store %arg7[%swap3A_774, %swap3A_775], %swap3A_778 {strides = array<i32>} : memref<4x128xi32, #tpu.memory_space<vmem>>, vector<1x16xi32>,
    %swap3A_779 = arith.constant 2 : i32
    %swap3A_780 = arith.index_cast %swap3A_779 : i32 to index
    %swap3A_781 = arith.constant 112 : index
    %swap3A_782 = tpu.vector_load %arg8[%swap3A_780, %swap3A_781] {strides = array<i32>} : memref<4x128xi32, #tpu.memory_space<vmem>>, vector<1x16xi32>,
    %swap3A_783 = vector.shape_cast %swap3A_782 : vector<1x16xi32> to vector<16xi32>
    %swap3A_784 = vector.shape_cast %add3A_772 : vector<16xi32> to vector<1x16xi32>
    tpu.vector_store %arg8[%swap3A_780, %swap3A_781], %swap3A_784 {strides = array<i32>} : memref<4x128xi32, #tpu.memory_space<vmem>>, vector<1x16xi32>,
    %get3A_785 = arith.constant 392 : index
    %get3A_786 = tpu.vector_load %arg6[%get3A_785] {strides = array<i32>} : memref<520xi32, #tpu.memory_space<vmem>>, vector<16xi32>,
    %get3A_787 = vector.shape_cast %get3A_786 : vector<16xi32> to vector<16xi32>
    %get3A_788 = arith.constant 391 : index
    %get3A_789 = tpu.vector_load %arg6[%get3A_788] {strides = array<i32>} : memref<520xi32, #tpu.memory_space<vmem>>, vector<16xi32>,
    %get3A_790 = vector.shape_cast %get3A_789 : vector<16xi32> to vector<16xi32>
    %add3A_791 = arith.constant 384 : i32
    %add3A_792 = vector.broadcast %add3A_791 : i32 to vector<16xi32>
    %add3A_793 = arith.addi %add3A_792, %iota3A : vector<16xi32>
    %mul3A_794 = arith.constant 128 : i32
    %mul3A_795 = vector.broadcast %mul3A_794 : i32 to vector<16xi32>
    %mul3A_796 = arith.muli %add3A_793, %mul3A_795 : vector<16xi32>
    %add3A_797 = vector.broadcast %mul3A_37 : i32 to vector<16xi32>
    %add3A_798 = arith.addi %add3A_797, %mul3A_796 : vector<16xi32>
    %add3A_799 = arith.addi %add3A_798, %get3A_787 : vector<16xi32>
    %mul3A_800 = arith.constant 128 : i32
    %mul3A_801 = vector.broadcast %mul3A_800 : i32 to vector<16xi32>
    %mul3A_802 = arith.muli %get3A_790, %mul3A_801 : vector<16xi32>
    %add3A_803 = arith.addi %mul3A_802, %get3A_787 : vector<16xi32>
    %swap3A_804 = arith.constant 3 : i32
    %swap3A_805 = arith.index_cast %swap3A_804 : i32 to index
    %swap3A_806 = arith.constant 0 : index
    %swap3A_807 = tpu.vector_load %arg7[%swap3A_805, %swap3A_806] {strides = array<i32>} : memref<4x128xi32, #tpu.memory_space<vmem>>, vector<1x16xi32>,
    %swap3A_808 = vector.shape_cast %swap3A_807 : vector<1x16xi32> to vector<16xi32>
    %swap3A_809 = vector.shape_cast %add3A_799 : vector<16xi32> to vector<1x16xi32>
    tpu.vector_store %arg7[%swap3A_805, %swap3A_806], %swap3A_809 {strides = array<i32>} : memref<4x128xi32, #tpu.memory_space<vmem>>, vector<1x16xi32>,
    %swap3A_810 = arith.constant 3 : i32
    %swap3A_811 = arith.index_cast %swap3A_810 : i32 to index
    %swap3A_812 = arith.constant 0 : index
    %swap3A_813 = tpu.vector_load %arg8[%swap3A_811, %swap3A_812] {strides = array<i32>} : memref<4x128xi32, #tpu.memory_space<vmem>>, vector<1x16xi32>,
    %swap3A_814 = vector.shape_cast %swap3A_813 : vector<1x16xi32> to vector<16xi32>
    %swap3A_815 = vector.shape_cast %add3A_803 : vector<16xi32> to vector<1x16xi32>
    tpu.vector_store %arg8[%swap3A_811, %swap3A_812], %swap3A_815 {strides = array<i32>} : memref<4x128xi32, #tpu.memory_space<vmem>>, vector<1x16xi32>,
    %get3A_816 = arith.constant 408 : index
    %get3A_817 = tpu.vector_load %arg6[%get3A_816] {strides = array<i32>} : memref<520xi32, #tpu.memory_space<vmem>>, vector<16xi32>,
    %get3A_818 = vector.shape_cast %get3A_817 : vector<16xi32> to vector<16xi32>
    %get3A_819 = arith.constant 407 : index
    %get3A_820 = tpu.vector_load %arg6[%get3A_819] {strides = array<i32>} : memref<520xi32, #tpu.memory_space<vmem>>, vector<16xi32>,
    %get3A_821 = vector.shape_cast %get3A_820 : vector<16xi32> to vector<16xi32>
    %add3A_822 = arith.constant 400 : i32
    %add3A_823 = vector.broadcast %add3A_822 : i32 to vector<16xi32>
    %add3A_824 = arith.addi %add3A_823, %iota3A : vector<16xi32>
    %mul3A_825 = arith.constant 128 : i32
    %mul3A_826 = vector.broadcast %mul3A_825 : i32 to vector<16xi32>
    %mul3A_827 = arith.muli %add3A_824, %mul3A_826 : vector<16xi32>
    %add3A_828 = vector.broadcast %mul3A_37 : i32 to vector<16xi32>
    %add3A_829 = arith.addi %add3A_828, %mul3A_827 : vector<16xi32>
    %add3A_830 = arith.addi %add3A_829, %get3A_818 : vector<16xi32>
    %mul3A_831 = arith.constant 128 : i32
    %mul3A_832 = vector.broadcast %mul3A_831 : i32 to vector<16xi32>
    %mul3A_833 = arith.muli %get3A_821, %mul3A_832 : vector<16xi32>
    %add3A_834 = arith.addi %mul3A_833, %get3A_818 : vector<16xi32>
    %swap3A_835 = arith.constant 3 : i32
    %swap3A_836 = arith.index_cast %swap3A_835 : i32 to index
    %swap3A_837 = arith.constant 16 : index
    %swap3A_838 = tpu.vector_load %arg7[%swap3A_836, %swap3A_837] {strides = array<i32>} : memref<4x128xi32, #tpu.memory_space<vmem>>, vector<1x16xi32>,
    %swap3A_839 = vector.shape_cast %swap3A_838 : vector<1x16xi32> to vector<16xi32>
    %swap3A_840 = vector.shape_cast %add3A_830 : vector<16xi32> to vector<1x16xi32>
    tpu.vector_store %arg7[%swap3A_836, %swap3A_837], %swap3A_840 {strides = array<i32>} : memref<4x128xi32, #tpu.memory_space<vmem>>, vector<1x16xi32>,
    %swap3A_841 = arith.constant 3 : i32
    %swap3A_842 = arith.index_cast %swap3A_841 : i32 to index
    %swap3A_843 = arith.constant 16 : index
    %swap3A_844 = tpu.vector_load %arg8[%swap3A_842, %swap3A_843] {strides = array<i32>} : memref<4x128xi32, #tpu.memory_space<vmem>>, vector<1x16xi32>,
    %swap3A_845 = vector.shape_cast %swap3A_844 : vector<1x16xi32> to vector<16xi32>
    %swap3A_846 = vector.shape_cast %add3A_834 : vector<16xi32> to vector<1x16xi32>
    tpu.vector_store %arg8[%swap3A_842, %swap3A_843], %swap3A_846 {strides = array<i32>} : memref<4x128xi32, #tpu.memory_space<vmem>>, vector<1x16xi32>,
    %get3A_847 = arith.constant 424 : index
    %get3A_848 = tpu.vector_load %arg6[%get3A_847] {strides = array<i32>} : memref<520xi32, #tpu.memory_space<vmem>>, vector<16xi32>,
    %get3A_849 = vector.shape_cast %get3A_848 : vector<16xi32> to vector<16xi32>
    %get3A_850 = arith.constant 423 : index
    %get3A_851 = tpu.vector_load %arg6[%get3A_850] {strides = array<i32>} : memref<520xi32, #tpu.memory_space<vmem>>, vector<16xi32>,
    %get3A_852 = vector.shape_cast %get3A_851 : vector<16xi32> to vector<16xi32>
    %add3A_853 = arith.constant 416 : i32
    %add3A_854 = vector.broadcast %add3A_853 : i32 to vector<16xi32>
    %add3A_855 = arith.addi %add3A_854, %iota3A : vector<16xi32>
    %mul3A_856 = arith.constant 128 : i32
    %mul3A_857 = vector.broadcast %mul3A_856 : i32 to vector<16xi32>
    %mul3A_858 = arith.muli %add3A_855, %mul3A_857 : vector<16xi32>
    %add3A_859 = vector.broadcast %mul3A_37 : i32 to vector<16xi32>
    %add3A_860 = arith.addi %add3A_859, %mul3A_858 : vector<16xi32>
    %add3A_861 = arith.addi %add3A_860, %get3A_849 : vector<16xi32>
    %mul3A_862 = arith.constant 128 : i32
    %mul3A_863 = vector.broadcast %mul3A_862 : i32 to vector<16xi32>
    %mul3A_864 = arith.muli %get3A_852, %mul3A_863 : vector<16xi32>
    %add3A_865 = arith.addi %mul3A_864, %get3A_849 : vector<16xi32>
    %swap3A_866 = arith.constant 3 : i32
    %swap3A_867 = arith.index_cast %swap3A_866 : i32 to index
    %swap3A_868 = arith.constant 32 : index
    %swap3A_869 = tpu.vector_load %arg7[%swap3A_867, %swap3A_868] {strides = array<i32>} : memref<4x128xi32, #tpu.memory_space<vmem>>, vector<1x16xi32>,
    %swap3A_870 = vector.shape_cast %swap3A_869 : vector<1x16xi32> to vector<16xi32>
    %swap3A_871 = vector.shape_cast %add3A_861 : vector<16xi32> to vector<1x16xi32>
    tpu.vector_store %arg7[%swap3A_867, %swap3A_868], %swap3A_871 {strides = array<i32>} : memref<4x128xi32, #tpu.memory_space<vmem>>, vector<1x16xi32>,
    %swap3A_872 = arith.constant 3 : i32
    %swap3A_873 = arith.index_cast %swap3A_872 : i32 to index
    %swap3A_874 = arith.constant 32 : index
    %swap3A_875 = tpu.vector_load %arg8[%swap3A_873, %swap3A_874] {strides = array<i32>} : memref<4x128xi32, #tpu.memory_space<vmem>>, vector<1x16xi32>,
    %swap3A_876 = vector.shape_cast %swap3A_875 : vector<1x16xi32> to vector<16xi32>
    %swap3A_877 = vector.shape_cast %add3A_865 : vector<16xi32> to vector<1x16xi32>
    tpu.vector_store %arg8[%swap3A_873, %swap3A_874], %swap3A_877 {strides = array<i32>} : memref<4x128xi32, #tpu.memory_space<vmem>>, vector<1x16xi32>,
    %get3A_878 = arith.constant 440 : index
    %get3A_879 = tpu.vector_load %arg6[%get3A_878] {strides = array<i32>} : memref<520xi32, #tpu.memory_space<vmem>>, vector<16xi32>,
    %get3A_880 = vector.shape_cast %get3A_879 : vector<16xi32> to vector<16xi32>
    %get3A_881 = arith.constant 439 : index
    %get3A_882 = tpu.vector_load %arg6[%get3A_881] {strides = array<i32>} : memref<520xi32, #tpu.memory_space<vmem>>, vector<16xi32>,
    %get3A_883 = vector.shape_cast %get3A_882 : vector<16xi32> to vector<16xi32>
    %add3A_884 = arith.constant 432 : i32
    %add3A_885 = vector.broadcast %add3A_884 : i32 to vector<16xi32>
    %add3A_886 = arith.addi %add3A_885, %iota3A : vector<16xi32>
    %mul3A_887 = arith.constant 128 : i32
    %mul3A_888 = vector.broadcast %mul3A_887 : i32 to vector<16xi32>
    %mul3A_889 = arith.muli %add3A_886, %mul3A_888 : vector<16xi32>
    %add3A_890 = vector.broadcast %mul3A_37 : i32 to vector<16xi32>
    %add3A_891 = arith.addi %add3A_890, %mul3A_889 : vector<16xi32>
    %add3A_892 = arith.addi %add3A_891, %get3A_880 : vector<16xi32>
    %mul3A_893 = arith.constant 128 : i32
    %mul3A_894 = vector.broadcast %mul3A_893 : i32 to vector<16xi32>
    %mul3A_895 = arith.muli %get3A_883, %mul3A_894 : vector<16xi32>
    %add3A_896 = arith.addi %mul3A_895, %get3A_880 : vector<16xi32>
    %swap3A_897 = arith.constant 3 : i32
    %swap3A_898 = arith.index_cast %swap3A_897 : i32 to index
    %swap3A_899 = arith.constant 48 : index
    %swap3A_900 = tpu.vector_load %arg7[%swap3A_898, %swap3A_899] {strides = array<i32>} : memref<4x128xi32, #tpu.memory_space<vmem>>, vector<1x16xi32>,
    %swap3A_901 = vector.shape_cast %swap3A_900 : vector<1x16xi32> to vector<16xi32>
    %swap3A_902 = vector.shape_cast %add3A_892 : vector<16xi32> to vector<1x16xi32>
    tpu.vector_store %arg7[%swap3A_898, %swap3A_899], %swap3A_902 {strides = array<i32>} : memref<4x128xi32, #tpu.memory_space<vmem>>, vector<1x16xi32>,
    %swap3A_903 = arith.constant 3 : i32
    %swap3A_904 = arith.index_cast %swap3A_903 : i32 to index
    %swap3A_905 = arith.constant 48 : index
    %swap3A_906 = tpu.vector_load %arg8[%swap3A_904, %swap3A_905] {strides = array<i32>} : memref<4x128xi32, #tpu.memory_space<vmem>>, vector<1x16xi32>,
    %swap3A_907 = vector.shape_cast %swap3A_906 : vector<1x16xi32> to vector<16xi32>
    %swap3A_908 = vector.shape_cast %add3A_896 : vector<16xi32> to vector<1x16xi32>
    tpu.vector_store %arg8[%swap3A_904, %swap3A_905], %swap3A_908 {strides = array<i32>} : memref<4x128xi32, #tpu.memory_space<vmem>>, vector<1x16xi32>,
    %get3A_909 = arith.constant 456 : index
    %get3A_910 = tpu.vector_load %arg6[%get3A_909] {strides = array<i32>} : memref<520xi32, #tpu.memory_space<vmem>>, vector<16xi32>,
    %get3A_911 = vector.shape_cast %get3A_910 : vector<16xi32> to vector<16xi32>
    %get3A_912 = arith.constant 455 : index
    %get3A_913 = tpu.vector_load %arg6[%get3A_912] {strides = array<i32>} : memref<520xi32, #tpu.memory_space<vmem>>, vector<16xi32>,
    %get3A_914 = vector.shape_cast %get3A_913 : vector<16xi32> to vector<16xi32>
    %add3A_915 = arith.constant 448 : i32
    %add3A_916 = vector.broadcast %add3A_915 : i32 to vector<16xi32>
    %add3A_917 = arith.addi %add3A_916, %iota3A : vector<16xi32>
    %mul3A_918 = arith.constant 128 : i32
    %mul3A_919 = vector.broadcast %mul3A_918 : i32 to vector<16xi32>
    %mul3A_920 = arith.muli %add3A_917, %mul3A_919 : vector<16xi32>
    %add3A_921 = vector.broadcast %mul3A_37 : i32 to vector<16xi32>
    %add3A_922 = arith.addi %add3A_921, %mul3A_920 : vector<16xi32>
    %add3A_923 = arith.addi %add3A_922, %get3A_911 : vector<16xi32>
    %mul3A_924 = arith.constant 128 : i32
    %mul3A_925 = vector.broadcast %mul3A_924 : i32 to vector<16xi32>
    %mul3A_926 = arith.muli %get3A_914, %mul3A_925 : vector<16xi32>
    %add3A_927 = arith.addi %mul3A_926, %get3A_911 : vector<16xi32>
    %swap3A_928 = arith.constant 3 : i32
    %swap3A_929 = arith.index_cast %swap3A_928 : i32 to index
    %swap3A_930 = arith.constant 64 : index
    %swap3A_931 = tpu.vector_load %arg7[%swap3A_929, %swap3A_930] {strides = array<i32>} : memref<4x128xi32, #tpu.memory_space<vmem>>, vector<1x16xi32>,
    %swap3A_932 = vector.shape_cast %swap3A_931 : vector<1x16xi32> to vector<16xi32>
    %swap3A_933 = vector.shape_cast %add3A_923 : vector<16xi32> to vector<1x16xi32>
    tpu.vector_store %arg7[%swap3A_929, %swap3A_930], %swap3A_933 {strides = array<i32>} : memref<4x128xi32, #tpu.memory_space<vmem>>, vector<1x16xi32>,
    %swap3A_934 = arith.constant 3 : i32
    %swap3A_935 = arith.index_cast %swap3A_934 : i32 to index
    %swap3A_936 = arith.constant 64 : index
    %swap3A_937 = tpu.vector_load %arg8[%swap3A_935, %swap3A_936] {strides = array<i32>} : memref<4x128xi32, #tpu.memory_space<vmem>>, vector<1x16xi32>,
    %swap3A_938 = vector.shape_cast %swap3A_937 : vector<1x16xi32> to vector<16xi32>
    %swap3A_939 = vector.shape_cast %add3A_927 : vector<16xi32> to vector<1x16xi32>
    tpu.vector_store %arg8[%swap3A_935, %swap3A_936], %swap3A_939 {strides = array<i32>} : memref<4x128xi32, #tpu.memory_space<vmem>>, vector<1x16xi32>,
    %get3A_940 = arith.constant 472 : index
    %get3A_941 = tpu.vector_load %arg6[%get3A_940] {strides = array<i32>} : memref<520xi32, #tpu.memory_space<vmem>>, vector<16xi32>,
    %get3A_942 = vector.shape_cast %get3A_941 : vector<16xi32> to vector<16xi32>
    %get3A_943 = arith.constant 471 : index
    %get3A_944 = tpu.vector_load %arg6[%get3A_943] {strides = array<i32>} : memref<520xi32, #tpu.memory_space<vmem>>, vector<16xi32>,
    %get3A_945 = vector.shape_cast %get3A_944 : vector<16xi32> to vector<16xi32>
    %add3A_946 = arith.constant 464 : i32
    %add3A_947 = vector.broadcast %add3A_946 : i32 to vector<16xi32>
    %add3A_948 = arith.addi %add3A_947, %iota3A : vector<16xi32>
    %mul3A_949 = arith.constant 128 : i32
    %mul3A_950 = vector.broadcast %mul3A_949 : i32 to vector<16xi32>
    %mul3A_951 = arith.muli %add3A_948, %mul3A_950 : vector<16xi32>
    %add3A_952 = vector.broadcast %mul3A_37 : i32 to vector<16xi32>
    %add3A_953 = arith.addi %add3A_952, %mul3A_951 : vector<16xi32>
    %add3A_954 = arith.addi %add3A_953, %get3A_942 : vector<16xi32>
    %mul3A_955 = arith.constant 128 : i32
    %mul3A_956 = vector.broadcast %mul3A_955 : i32 to vector<16xi32>
    %mul3A_957 = arith.muli %get3A_945, %mul3A_956 : vector<16xi32>
    %add3A_958 = arith.addi %mul3A_957, %get3A_942 : vector<16xi32>
    %swap3A_959 = arith.constant 3 : i32
    %swap3A_960 = arith.index_cast %swap3A_959 : i32 to index
    %swap3A_961 = arith.constant 80 : index
    %swap3A_962 = tpu.vector_load %arg7[%swap3A_960, %swap3A_961] {strides = array<i32>} : memref<4x128xi32, #tpu.memory_space<vmem>>, vector<1x16xi32>,
    %swap3A_963 = vector.shape_cast %swap3A_962 : vector<1x16xi32> to vector<16xi32>
    %swap3A_964 = vector.shape_cast %add3A_954 : vector<16xi32> to vector<1x16xi32>
    tpu.vector_store %arg7[%swap3A_960, %swap3A_961], %swap3A_964 {strides = array<i32>} : memref<4x128xi32, #tpu.memory_space<vmem>>, vector<1x16xi32>,
    %swap3A_965 = arith.constant 3 : i32
    %swap3A_966 = arith.index_cast %swap3A_965 : i32 to index
    %swap3A_967 = arith.constant 80 : index
    %swap3A_968 = tpu.vector_load %arg8[%swap3A_966, %swap3A_967] {strides = array<i32>} : memref<4x128xi32, #tpu.memory_space<vmem>>, vector<1x16xi32>,
    %swap3A_969 = vector.shape_cast %swap3A_968 : vector<1x16xi32> to vector<16xi32>
    %swap3A_970 = vector.shape_cast %add3A_958 : vector<16xi32> to vector<1x16xi32>
    tpu.vector_store %arg8[%swap3A_966, %swap3A_967], %swap3A_970 {strides = array<i32>} : memref<4x128xi32, #tpu.memory_space<vmem>>, vector<1x16xi32>,
    %get3A_971 = arith.constant 488 : index
    %get3A_972 = tpu.vector_load %arg6[%get3A_971] {strides = array<i32>} : memref<520xi32, #tpu.memory_space<vmem>>, vector<16xi32>,
    %get3A_973 = vector.shape_cast %get3A_972 : vector<16xi32> to vector<16xi32>
    %get3A_974 = arith.constant 487 : index
    %get3A_975 = tpu.vector_load %arg6[%get3A_974] {strides = array<i32>} : memref<520xi32, #tpu.memory_space<vmem>>, vector<16xi32>,
    %get3A_976 = vector.shape_cast %get3A_975 : vector<16xi32> to vector<16xi32>
    %add3A_977 = arith.constant 480 : i32
    %add3A_978 = vector.broadcast %add3A_977 : i32 to vector<16xi32>
    %add3A_979 = arith.addi %add3A_978, %iota3A : vector<16xi32>
    %mul3A_980 = arith.constant 128 : i32
    %mul3A_981 = vector.broadcast %mul3A_980 : i32 to vector<16xi32>
    %mul3A_982 = arith.muli %add3A_979, %mul3A_981 : vector<16xi32>
    %add3A_983 = vector.broadcast %mul3A_37 : i32 to vector<16xi32>
    %add3A_984 = arith.addi %add3A_983, %mul3A_982 : vector<16xi32>
    %add3A_985 = arith.addi %add3A_984, %get3A_973 : vector<16xi32>
    %mul3A_986 = arith.constant 128 : i32
    %mul3A_987 = vector.broadcast %mul3A_986 : i32 to vector<16xi32>
    %mul3A_988 = arith.muli %get3A_976, %mul3A_987 : vector<16xi32>
    %add3A_989 = arith.addi %mul3A_988, %get3A_973 : vector<16xi32>
    %swap3A_990 = arith.constant 3 : i32
    %swap3A_991 = arith.index_cast %swap3A_990 : i32 to index
    %swap3A_992 = arith.constant 96 : index
    %swap3A_993 = tpu.vector_load %arg7[%swap3A_991, %swap3A_992] {strides = array<i32>} : memref<4x128xi32, #tpu.memory_space<vmem>>, vector<1x16xi32>,
    %swap3A_994 = vector.shape_cast %swap3A_993 : vector<1x16xi32> to vector<16xi32>
    %swap3A_995 = vector.shape_cast %add3A_985 : vector<16xi32> to vector<1x16xi32>
    tpu.vector_store %arg7[%swap3A_991, %swap3A_992], %swap3A_995 {strides = array<i32>} : memref<4x128xi32, #tpu.memory_space<vmem>>, vector<1x16xi32>,
    %swap3A_996 = arith.constant 3 : i32
    %swap3A_997 = arith.index_cast %swap3A_996 : i32 to index
    %swap3A_998 = arith.constant 96 : index
    %swap3A_999 = tpu.vector_load %arg8[%swap3A_997, %swap3A_998] {strides = array<i32>} : memref<4x128xi32, #tpu.memory_space<vmem>>, vector<1x16xi32>,
    %swap3A_1000 = vector.shape_cast %swap3A_999 : vector<1x16xi32> to vector<16xi32>
    %swap3A_1001 = vector.shape_cast %add3A_989 : vector<16xi32> to vector<1x16xi32>
    tpu.vector_store %arg8[%swap3A_997, %swap3A_998], %swap3A_1001 {strides = array<i32>} : memref<4x128xi32, #tpu.memory_space<vmem>>, vector<1x16xi32>,
    %get3A_1002 = arith.constant 504 : index
    %get3A_1003 = tpu.vector_load %arg6[%get3A_1002] {strides = array<i32>} : memref<520xi32, #tpu.memory_space<vmem>>, vector<16xi32>,
    %get3A_1004 = vector.shape_cast %get3A_1003 : vector<16xi32> to vector<16xi32>
    %get3A_1005 = arith.constant 503 : index
    %get3A_1006 = tpu.vector_load %arg6[%get3A_1005] {strides = array<i32>} : memref<520xi32, #tpu.memory_space<vmem>>, vector<16xi32>,
    %get3A_1007 = vector.shape_cast %get3A_1006 : vector<16xi32> to vector<16xi32>
    %add3A_1008 = arith.constant 496 : i32
    %add3A_1009 = vector.broadcast %add3A_1008 : i32 to vector<16xi32>
    %add3A_1010 = arith.addi %add3A_1009, %iota3A : vector<16xi32>
    %mul3A_1011 = arith.constant 128 : i32
    %mul3A_1012 = vector.broadcast %mul3A_1011 : i32 to vector<16xi32>
    %mul3A_1013 = arith.muli %add3A_1010, %mul3A_1012 : vector<16xi32>
    %add3A_1014 = vector.broadcast %mul3A_37 : i32 to vector<16xi32>
    %add3A_1015 = arith.addi %add3A_1014, %mul3A_1013 : vector<16xi32>
    %add3A_1016 = arith.addi %add3A_1015, %get3A_1004 : vector<16xi32>
    %mul3A_1017 = arith.constant 128 : i32
    %mul3A_1018 = vector.broadcast %mul3A_1017 : i32 to vector<16xi32>
    %mul3A_1019 = arith.muli %get3A_1007, %mul3A_1018 : vector<16xi32>
    %add3A_1020 = arith.addi %mul3A_1019, %get3A_1004 : vector<16xi32>
    %swap3A_1021 = arith.constant 3 : i32
    %swap3A_1022 = arith.index_cast %swap3A_1021 : i32 to index
    %swap3A_1023 = arith.constant 112 : index
    %swap3A_1024 = tpu.vector_load %arg7[%swap3A_1022, %swap3A_1023] {strides = array<i32>} : memref<4x128xi32, #tpu.memory_space<vmem>>, vector<1x16xi32>,
    %swap3A_1025 = vector.shape_cast %swap3A_1024 : vector<1x16xi32> to vector<16xi32>
    %swap3A_1026 = vector.shape_cast %add3A_1016 : vector<16xi32> to vector<1x16xi32>
    tpu.vector_store %arg7[%swap3A_1022, %swap3A_1023], %swap3A_1026 {strides = array<i32>} : memref<4x128xi32, #tpu.memory_space<vmem>>, vector<1x16xi32>,
    %swap3A_1027 = arith.constant 3 : i32
    %swap3A_1028 = arith.index_cast %swap3A_1027 : i32 to index
    %swap3A_1029 = arith.constant 112 : index
    %swap3A_1030 = tpu.vector_load %arg8[%swap3A_1028, %swap3A_1029] {strides = array<i32>} : memref<4x128xi32, #tpu.memory_space<vmem>>, vector<1x16xi32>,
    %swap3A_1031 = vector.shape_cast %swap3A_1030 : vector<1x16xi32> to vector<16xi32>
    %swap3A_1032 = vector.shape_cast %add3A_1020 : vector<16xi32> to vector<1x16xi32>
    tpu.vector_store %arg8[%swap3A_1028, %swap3A_1029], %swap3A_1032 {strides = array<i32>} : memref<4x128xi32, #tpu.memory_space<vmem>>, vector<1x16xi32>,
    %dma_start3A = arith.constant 0 : i32
    %dma_start3A_1033 = arith.constant 0 : i32
    %dma_start3A_1034 = arith.constant 0 : i32
    %dma_start3A_1035 = tpu.memref_slice %arg9[%dma_start3A_1033, %dma_start3A_1034] : memref<4x128xf32, #tpu.memory_space<vmem>> -> memref<1x128xf32, #tpu.memory_space<vmem>>
    %dma_start3A_1036 = tpu.memref_squeeze %dma_start3A_1035 : memref<1x128xf32, #tpu.memory_space<vmem>> -> memref<128xf32, #tpu.memory_space<vmem>>
    %dma_start3A_1037 = arith.constant 0 : i32
    %dma_start3A_1038 = tpu.memref_slice %arg7[%dma_start3A, %dma_start3A_1037] : memref<4x128xi32, #tpu.memory_space<vmem>> -> memref<1x128xi32, #tpu.memory_space<vmem>>
    %dma_start3A_1039 = tpu.memref_squeeze %dma_start3A_1038 : memref<1x128xi32, #tpu.memory_space<vmem>> -> memref<128xi32, #tpu.memory_space<vmem>>
    %dma_start3A_1040 = arith.constant 0 : i32
    %dma_start3A_1041 = tpu.memref_slice %arg3[%dma_start3A_1040] : memref<1048576xf32, #tpu.memory_space<hbm>> -> memref<1048576xf32, #tpu.memory_space<hbm>>
    tpu.enqueue_indirect_dma source(%dma_start3A_1041 : memref<1048576xf32, #tpu.memory_space<hbm>>) target(%dma_start3A_1036 : memref<128xf32, #tpu.memory_space<vmem>>) offsets(%dma_start3A_1039 : memref<128xi32, #tpu.memory_space<vmem>>) semaphore(%arg14 : memref<!tpu.dma_semaphore, #tpu.memory_space<semaphore_mem>>)
    %dma_start3A_1042 = arith.constant 0 : i32
    %dma_start3A_1043 = arith.constant 0 : i32
    %dma_start3A_1044 = arith.constant 0 : i32
    %dma_start3A_1045 = tpu.memref_slice %arg10[%dma_start3A_1043, %dma_start3A_1044] : memref<4x128xf32, #tpu.memory_space<vmem>> -> memref<1x128xf32, #tpu.memory_space<vmem>>
    %dma_start3A_1046 = tpu.memref_squeeze %dma_start3A_1045 : memref<1x128xf32, #tpu.memory_space<vmem>> -> memref<128xf32, #tpu.memory_space<vmem>>
    %dma_start3A_1047 = arith.constant 0 : i32
    %dma_start3A_1048 = tpu.memref_slice %arg8[%dma_start3A_1042, %dma_start3A_1047] : memref<4x128xi32, #tpu.memory_space<vmem>> -> memref<1x128xi32, #tpu.memory_space<vmem>>
    %dma_start3A_1049 = tpu.memref_squeeze %dma_start3A_1048 : memref<1x128xi32, #tpu.memory_space<vmem>> -> memref<128xi32, #tpu.memory_space<vmem>>
    %dma_start3A_1050 = arith.constant 0 : i32
    %dma_start3A_1051 = tpu.memref_slice %arg4[%dma_start3A_1050] : memref<16384xf32, #tpu.memory_space<hbm>> -> memref<16384xf32, #tpu.memory_space<hbm>>
    tpu.enqueue_indirect_dma source(%dma_start3A_1051 : memref<16384xf32, #tpu.memory_space<hbm>>) target(%dma_start3A_1046 : memref<128xf32, #tpu.memory_space<vmem>>) offsets(%dma_start3A_1049 : memref<128xi32, #tpu.memory_space<vmem>>) semaphore(%arg15 : memref<!tpu.dma_semaphore, #tpu.memory_space<semaphore_mem>>)
    %dma_start3A_1052 = arith.constant 1 : i32
    %dma_start3A_1053 = arith.constant 1 : i32
    %dma_start3A_1054 = arith.constant 0 : i32
    %dma_start3A_1055 = tpu.memref_slice %arg9[%dma_start3A_1053, %dma_start3A_1054] : memref<4x128xf32, #tpu.memory_space<vmem>> -> memref<1x128xf32, #tpu.memory_space<vmem>>
    %dma_start3A_1056 = tpu.memref_squeeze %dma_start3A_1055 : memref<1x128xf32, #tpu.memory_space<vmem>> -> memref<128xf32, #tpu.memory_space<vmem>>
    %dma_start3A_1057 = arith.constant 0 : i32
    %dma_start3A_1058 = tpu.memref_slice %arg7[%dma_start3A_1052, %dma_start3A_1057] : memref<4x128xi32, #tpu.memory_space<vmem>> -> memref<1x128xi32, #tpu.memory_space<vmem>>
    %dma_start3A_1059 = tpu.memref_squeeze %dma_start3A_1058 : memref<1x128xi32, #tpu.memory_space<vmem>> -> memref<128xi32, #tpu.memory_space<vmem>>
    %dma_start3A_1060 = arith.constant 0 : i32
    %dma_start3A_1061 = tpu.memref_slice %arg3[%dma_start3A_1060] : memref<1048576xf32, #tpu.memory_space<hbm>> -> memref<1048576xf32, #tpu.memory_space<hbm>>
    tpu.enqueue_indirect_dma source(%dma_start3A_1061 : memref<1048576xf32, #tpu.memory_space<hbm>>) target(%dma_start3A_1056 : memref<128xf32, #tpu.memory_space<vmem>>) offsets(%dma_start3A_1059 : memref<128xi32, #tpu.memory_space<vmem>>) semaphore(%arg14 : memref<!tpu.dma_semaphore, #tpu.memory_space<semaphore_mem>>)
    %dma_start3A_1062 = arith.constant 1 : i32
    %dma_start3A_1063 = arith.constant 1 : i32
    %dma_start3A_1064 = arith.constant 0 : i32
    %dma_start3A_1065 = tpu.memref_slice %arg10[%dma_start3A_1063, %dma_start3A_1064] : memref<4x128xf32, #tpu.memory_space<vmem>> -> memref<1x128xf32, #tpu.memory_space<vmem>>
    %dma_start3A_1066 = tpu.memref_squeeze %dma_start3A_1065 : memref<1x128xf32, #tpu.memory_space<vmem>> -> memref<128xf32, #tpu.memory_space<vmem>>
    %dma_start3A_1067 = arith.constant 0 : i32
    %dma_start3A_1068 = tpu.memref_slice %arg8[%dma_start3A_1062, %dma_start3A_1067] : memref<4x128xi32, #tpu.memory_space<vmem>> -> memref<1x128xi32, #tpu.memory_space<vmem>>
    %dma_start3A_1069 = tpu.memref_squeeze %dma_start3A_1068 : memref<1x128xi32, #tpu.memory_space<vmem>> -> memref<128xi32, #tpu.memory_space<vmem>>
    %dma_start3A_1070 = arith.constant 0 : i32
    %dma_start3A_1071 = tpu.memref_slice %arg4[%dma_start3A_1070] : memref<16384xf32, #tpu.memory_space<hbm>> -> memref<16384xf32, #tpu.memory_space<hbm>>
    tpu.enqueue_indirect_dma source(%dma_start3A_1071 : memref<16384xf32, #tpu.memory_space<hbm>>) target(%dma_start3A_1066 : memref<128xf32, #tpu.memory_space<vmem>>) offsets(%dma_start3A_1069 : memref<128xi32, #tpu.memory_space<vmem>>) semaphore(%arg15 : memref<!tpu.dma_semaphore, #tpu.memory_space<semaphore_mem>>)
    %dma_start3A_1072 = arith.constant 2 : i32
    %dma_start3A_1073 = arith.constant 2 : i32
    %dma_start3A_1074 = arith.constant 0 : i32
    %dma_start3A_1075 = tpu.memref_slice %arg9[%dma_start3A_1073, %dma_start3A_1074] : memref<4x128xf32, #tpu.memory_space<vmem>> -> memref<1x128xf32, #tpu.memory_space<vmem>>
    %dma_start3A_1076 = tpu.memref_squeeze %dma_start3A_1075 : memref<1x128xf32, #tpu.memory_space<vmem>> -> memref<128xf32, #tpu.memory_space<vmem>>
    %dma_start3A_1077 = arith.constant 0 : i32
    %dma_start3A_1078 = tpu.memref_slice %arg7[%dma_start3A_1072, %dma_start3A_1077] : memref<4x128xi32, #tpu.memory_space<vmem>> -> memref<1x128xi32, #tpu.memory_space<vmem>>
    %dma_start3A_1079 = tpu.memref_squeeze %dma_start3A_1078 : memref<1x128xi32, #tpu.memory_space<vmem>> -> memref<128xi32, #tpu.memory_space<vmem>>
    %dma_start3A_1080 = arith.constant 0 : i32
    %dma_start3A_1081 = tpu.memref_slice %arg3[%dma_start3A_1080] : memref<1048576xf32, #tpu.memory_space<hbm>> -> memref<1048576xf32, #tpu.memory_space<hbm>>
    tpu.enqueue_indirect_dma source(%dma_start3A_1081 : memref<1048576xf32, #tpu.memory_space<hbm>>) target(%dma_start3A_1076 : memref<128xf32, #tpu.memory_space<vmem>>) offsets(%dma_start3A_1079 : memref<128xi32, #tpu.memory_space<vmem>>) semaphore(%arg14 : memref<!tpu.dma_semaphore, #tpu.memory_space<semaphore_mem>>)
    %dma_start3A_1082 = arith.constant 2 : i32
    %dma_start3A_1083 = arith.constant 2 : i32
    %dma_start3A_1084 = arith.constant 0 : i32
    %dma_start3A_1085 = tpu.memref_slice %arg10[%dma_start3A_1083, %dma_start3A_1084] : memref<4x128xf32, #tpu.memory_space<vmem>> -> memref<1x128xf32, #tpu.memory_space<vmem>>
    %dma_start3A_1086 = tpu.memref_squeeze %dma_start3A_1085 : memref<1x128xf32, #tpu.memory_space<vmem>> -> memref<128xf32, #tpu.memory_space<vmem>>
    %dma_start3A_1087 = arith.constant 0 : i32
    %dma_start3A_1088 = tpu.memref_slice %arg8[%dma_start3A_1082, %dma_start3A_1087] : memref<4x128xi32, #tpu.memory_space<vmem>> -> memref<1x128xi32, #tpu.memory_space<vmem>>
    %dma_start3A_1089 = tpu.memref_squeeze %dma_start3A_1088 : memref<1x128xi32, #tpu.memory_space<vmem>> -> memref<128xi32, #tpu.memory_space<vmem>>
    %dma_start3A_1090 = arith.constant 0 : i32
    %dma_start3A_1091 = tpu.memref_slice %arg4[%dma_start3A_1090] : memref<16384xf32, #tpu.memory_space<hbm>> -> memref<16384xf32, #tpu.memory_space<hbm>>
    tpu.enqueue_indirect_dma source(%dma_start3A_1091 : memref<16384xf32, #tpu.memory_space<hbm>>) target(%dma_start3A_1086 : memref<128xf32, #tpu.memory_space<vmem>>) offsets(%dma_start3A_1089 : memref<128xi32, #tpu.memory_space<vmem>>) semaphore(%arg15 : memref<!tpu.dma_semaphore, #tpu.memory_space<semaphore_mem>>)
    %dma_start3A_1092 = arith.constant 3 : i32
    %dma_start3A_1093 = arith.constant 3 : i32
    %dma_start3A_1094 = arith.constant 0 : i32
    %dma_start3A_1095 = tpu.memref_slice %arg9[%dma_start3A_1093, %dma_start3A_1094] : memref<4x128xf32, #tpu.memory_space<vmem>> -> memref<1x128xf32, #tpu.memory_space<vmem>>
    %dma_start3A_1096 = tpu.memref_squeeze %dma_start3A_1095 : memref<1x128xf32, #tpu.memory_space<vmem>> -> memref<128xf32, #tpu.memory_space<vmem>>
    %dma_start3A_1097 = arith.constant 0 : i32
    %dma_start3A_1098 = tpu.memref_slice %arg7[%dma_start3A_1092, %dma_start3A_1097] : memref<4x128xi32, #tpu.memory_space<vmem>> -> memref<1x128xi32, #tpu.memory_space<vmem>>
    %dma_start3A_1099 = tpu.memref_squeeze %dma_start3A_1098 : memref<1x128xi32, #tpu.memory_space<vmem>> -> memref<128xi32, #tpu.memory_space<vmem>>
    %dma_start3A_1100 = arith.constant 0 : i32
    %dma_start3A_1101 = tpu.memref_slice %arg3[%dma_start3A_1100] : memref<1048576xf32, #tpu.memory_space<hbm>> -> memref<1048576xf32, #tpu.memory_space<hbm>>
    tpu.enqueue_indirect_dma source(%dma_start3A_1101 : memref<1048576xf32, #tpu.memory_space<hbm>>) target(%dma_start3A_1096 : memref<128xf32, #tpu.memory_space<vmem>>) offsets(%dma_start3A_1099 : memref<128xi32, #tpu.memory_space<vmem>>) semaphore(%arg14 : memref<!tpu.dma_semaphore, #tpu.memory_space<semaphore_mem>>)
    %dma_start3A_1102 = arith.constant 3 : i32
    %dma_start3A_1103 = arith.constant 3 : i32
    %dma_start3A_1104 = arith.constant 0 : i32
    %dma_start3A_1105 = tpu.memref_slice %arg10[%dma_start3A_1103, %dma_start3A_1104] : memref<4x128xf32, #tpu.memory_space<vmem>> -> memref<1x128xf32, #tpu.memory_space<vmem>>
    %dma_start3A_1106 = tpu.memref_squeeze %dma_start3A_1105 : memref<1x128xf32, #tpu.memory_space<vmem>> -> memref<128xf32, #tpu.memory_space<vmem>>
    %dma_start3A_1107 = arith.constant 0 : i32
    %dma_start3A_1108 = tpu.memref_slice %arg8[%dma_start3A_1102, %dma_start3A_1107] : memref<4x128xi32, #tpu.memory_space<vmem>> -> memref<1x128xi32, #tpu.memory_space<vmem>>
    %dma_start3A_1109 = tpu.memref_squeeze %dma_start3A_1108 : memref<1x128xi32, #tpu.memory_space<vmem>> -> memref<128xi32, #tpu.memory_space<vmem>>
    %dma_start3A_1110 = arith.constant 0 : i32
    %dma_start3A_1111 = tpu.memref_slice %arg4[%dma_start3A_1110] : memref<16384xf32, #tpu.memory_space<hbm>> -> memref<16384xf32, #tpu.memory_space<hbm>>
    tpu.enqueue_indirect_dma source(%dma_start3A_1111 : memref<16384xf32, #tpu.memory_space<hbm>>) target(%dma_start3A_1106 : memref<128xf32, #tpu.memory_space<vmem>>) offsets(%dma_start3A_1109 : memref<128xi32, #tpu.memory_space<vmem>>) semaphore(%arg15 : memref<!tpu.dma_semaphore, #tpu.memory_space<semaphore_mem>>)
    %dma_wait3A = arith.constant 0 : i32
    %dma_wait3A_1112 = arith.constant 0 : i32
    %dma_wait3A_1113 = arith.constant 0 : i32
    %dma_wait3A_1114 = tpu.memref_slice %arg9[%dma_wait3A_1112, %dma_wait3A_1113] : memref<4x128xf32, #tpu.memory_space<vmem>> -> memref<1x128xf32, #tpu.memory_space<vmem>>
    %dma_wait3A_1115 = tpu.memref_squeeze %dma_wait3A_1114 : memref<1x128xf32, #tpu.memory_space<vmem>> -> memref<128xf32, #tpu.memory_space<vmem>>
    %dma_wait3A_1116 = arith.constant 0 : i32
    %dma_wait3A_1117 = tpu.memref_slice %arg7[%dma_wait3A, %dma_wait3A_1116] : memref<4x128xi32, #tpu.memory_space<vmem>> -> memref<1x128xi32, #tpu.memory_space<vmem>>
    %dma_wait3A_1118 = tpu.memref_squeeze %dma_wait3A_1117 : memref<1x128xi32, #tpu.memory_space<vmem>> -> memref<128xi32, #tpu.memory_space<vmem>>
    %dma_wait3A_1119 = arith.constant 0 : i32
    %dma_wait3A_1120 = tpu.memref_slice %arg3[%dma_wait3A_1119] : memref<1048576xf32, #tpu.memory_space<hbm>> -> memref<1048576xf32, #tpu.memory_space<hbm>>
    tpu.wait_indirect_dma semaphore(%arg14 : memref<!tpu.dma_semaphore, #tpu.memory_space<semaphore_mem>>) src(%dma_wait3A_1120 : memref<1048576xf32, #tpu.memory_space<hbm>>) dst(%dma_wait3A_1115 : memref<128xf32, #tpu.memory_space<vmem>>)
    %dma_wait3A_1121 = arith.constant 0 : i32
    %dma_wait3A_1122 = arith.constant 0 : i32
    %dma_wait3A_1123 = arith.constant 0 : i32
    %dma_wait3A_1124 = tpu.memref_slice %arg10[%dma_wait3A_1122, %dma_wait3A_1123] : memref<4x128xf32, #tpu.memory_space<vmem>> -> memref<1x128xf32, #tpu.memory_space<vmem>>
    %dma_wait3A_1125 = tpu.memref_squeeze %dma_wait3A_1124 : memref<1x128xf32, #tpu.memory_space<vmem>> -> memref<128xf32, #tpu.memory_space<vmem>>
    %dma_wait3A_1126 = arith.constant 0 : i32
    %dma_wait3A_1127 = tpu.memref_slice %arg8[%dma_wait3A_1121, %dma_wait3A_1126] : memref<4x128xi32, #tpu.memory_space<vmem>> -> memref<1x128xi32, #tpu.memory_space<vmem>>
    %dma_wait3A_1128 = tpu.memref_squeeze %dma_wait3A_1127 : memref<1x128xi32, #tpu.memory_space<vmem>> -> memref<128xi32, #tpu.memory_space<vmem>>
    %dma_wait3A_1129 = arith.constant 0 : i32
    %dma_wait3A_1130 = tpu.memref_slice %arg4[%dma_wait3A_1129] : memref<16384xf32, #tpu.memory_space<hbm>> -> memref<16384xf32, #tpu.memory_space<hbm>>
    tpu.wait_indirect_dma semaphore(%arg15 : memref<!tpu.dma_semaphore, #tpu.memory_space<semaphore_mem>>) src(%dma_wait3A_1130 : memref<16384xf32, #tpu.memory_space<hbm>>) dst(%dma_wait3A_1125 : memref<128xf32, #tpu.memory_space<vmem>>)
    %dma_wait3A_1131 = arith.constant 1 : i32
    %dma_wait3A_1132 = arith.constant 1 : i32
    %dma_wait3A_1133 = arith.constant 0 : i32
    %dma_wait3A_1134 = tpu.memref_slice %arg9[%dma_wait3A_1132, %dma_wait3A_1133] : memref<4x128xf32, #tpu.memory_space<vmem>> -> memref<1x128xf32, #tpu.memory_space<vmem>>
    %dma_wait3A_1135 = tpu.memref_squeeze %dma_wait3A_1134 : memref<1x128xf32, #tpu.memory_space<vmem>> -> memref<128xf32, #tpu.memory_space<vmem>>
    %dma_wait3A_1136 = arith.constant 0 : i32
    %dma_wait3A_1137 = tpu.memref_slice %arg7[%dma_wait3A_1131, %dma_wait3A_1136] : memref<4x128xi32, #tpu.memory_space<vmem>> -> memref<1x128xi32, #tpu.memory_space<vmem>>
    %dma_wait3A_1138 = tpu.memref_squeeze %dma_wait3A_1137 : memref<1x128xi32, #tpu.memory_space<vmem>> -> memref<128xi32, #tpu.memory_space<vmem>>
    %dma_wait3A_1139 = arith.constant 0 : i32
    %dma_wait3A_1140 = tpu.memref_slice %arg3[%dma_wait3A_1139] : memref<1048576xf32, #tpu.memory_space<hbm>> -> memref<1048576xf32, #tpu.memory_space<hbm>>
    tpu.wait_indirect_dma semaphore(%arg14 : memref<!tpu.dma_semaphore, #tpu.memory_space<semaphore_mem>>) src(%dma_wait3A_1140 : memref<1048576xf32, #tpu.memory_space<hbm>>) dst(%dma_wait3A_1135 : memref<128xf32, #tpu.memory_space<vmem>>)
    %dma_wait3A_1141 = arith.constant 1 : i32
    %dma_wait3A_1142 = arith.constant 1 : i32
    %dma_wait3A_1143 = arith.constant 0 : i32
    %dma_wait3A_1144 = tpu.memref_slice %arg10[%dma_wait3A_1142, %dma_wait3A_1143] : memref<4x128xf32, #tpu.memory_space<vmem>> -> memref<1x128xf32, #tpu.memory_space<vmem>>
    %dma_wait3A_1145 = tpu.memref_squeeze %dma_wait3A_1144 : memref<1x128xf32, #tpu.memory_space<vmem>> -> memref<128xf32, #tpu.memory_space<vmem>>
    %dma_wait3A_1146 = arith.constant 0 : i32
    %dma_wait3A_1147 = tpu.memref_slice %arg8[%dma_wait3A_1141, %dma_wait3A_1146] : memref<4x128xi32, #tpu.memory_space<vmem>> -> memref<1x128xi32, #tpu.memory_space<vmem>>
    %dma_wait3A_1148 = tpu.memref_squeeze %dma_wait3A_1147 : memref<1x128xi32, #tpu.memory_space<vmem>> -> memref<128xi32, #tpu.memory_space<vmem>>
    %dma_wait3A_1149 = arith.constant 0 : i32
    %dma_wait3A_1150 = tpu.memref_slice %arg4[%dma_wait3A_1149] : memref<16384xf32, #tpu.memory_space<hbm>> -> memref<16384xf32, #tpu.memory_space<hbm>>
    tpu.wait_indirect_dma semaphore(%arg15 : memref<!tpu.dma_semaphore, #tpu.memory_space<semaphore_mem>>) src(%dma_wait3A_1150 : memref<16384xf32, #tpu.memory_space<hbm>>) dst(%dma_wait3A_1145 : memref<128xf32, #tpu.memory_space<vmem>>)
    %dma_wait3A_1151 = arith.constant 2 : i32
    %dma_wait3A_1152 = arith.constant 2 : i32
    %dma_wait3A_1153 = arith.constant 0 : i32
    %dma_wait3A_1154 = tpu.memref_slice %arg9[%dma_wait3A_1152, %dma_wait3A_1153] : memref<4x128xf32, #tpu.memory_space<vmem>> -> memref<1x128xf32, #tpu.memory_space<vmem>>
    %dma_wait3A_1155 = tpu.memref_squeeze %dma_wait3A_1154 : memref<1x128xf32, #tpu.memory_space<vmem>> -> memref<128xf32, #tpu.memory_space<vmem>>
    %dma_wait3A_1156 = arith.constant 0 : i32
    %dma_wait3A_1157 = tpu.memref_slice %arg7[%dma_wait3A_1151, %dma_wait3A_1156] : memref<4x128xi32, #tpu.memory_space<vmem>> -> memref<1x128xi32, #tpu.memory_space<vmem>>
    %dma_wait3A_1158 = tpu.memref_squeeze %dma_wait3A_1157 : memref<1x128xi32, #tpu.memory_space<vmem>> -> memref<128xi32, #tpu.memory_space<vmem>>
    %dma_wait3A_1159 = arith.constant 0 : i32
    %dma_wait3A_1160 = tpu.memref_slice %arg3[%dma_wait3A_1159] : memref<1048576xf32, #tpu.memory_space<hbm>> -> memref<1048576xf32, #tpu.memory_space<hbm>>
    tpu.wait_indirect_dma semaphore(%arg14 : memref<!tpu.dma_semaphore, #tpu.memory_space<semaphore_mem>>) src(%dma_wait3A_1160 : memref<1048576xf32, #tpu.memory_space<hbm>>) dst(%dma_wait3A_1155 : memref<128xf32, #tpu.memory_space<vmem>>)
    %dma_wait3A_1161 = arith.constant 2 : i32
    %dma_wait3A_1162 = arith.constant 2 : i32
    %dma_wait3A_1163 = arith.constant 0 : i32
    %dma_wait3A_1164 = tpu.memref_slice %arg10[%dma_wait3A_1162, %dma_wait3A_1163] : memref<4x128xf32, #tpu.memory_space<vmem>> -> memref<1x128xf32, #tpu.memory_space<vmem>>
    %dma_wait3A_1165 = tpu.memref_squeeze %dma_wait3A_1164 : memref<1x128xf32, #tpu.memory_space<vmem>> -> memref<128xf32, #tpu.memory_space<vmem>>
    %dma_wait3A_1166 = arith.constant 0 : i32
    %dma_wait3A_1167 = tpu.memref_slice %arg8[%dma_wait3A_1161, %dma_wait3A_1166] : memref<4x128xi32, #tpu.memory_space<vmem>> -> memref<1x128xi32, #tpu.memory_space<vmem>>
    %dma_wait3A_1168 = tpu.memref_squeeze %dma_wait3A_1167 : memref<1x128xi32, #tpu.memory_space<vmem>> -> memref<128xi32, #tpu.memory_space<vmem>>
    %dma_wait3A_1169 = arith.constant 0 : i32
    %dma_wait3A_1170 = tpu.memref_slice %arg4[%dma_wait3A_1169] : memref<16384xf32, #tpu.memory_space<hbm>> -> memref<16384xf32, #tpu.memory_space<hbm>>
    tpu.wait_indirect_dma semaphore(%arg15 : memref<!tpu.dma_semaphore, #tpu.memory_space<semaphore_mem>>) src(%dma_wait3A_1170 : memref<16384xf32, #tpu.memory_space<hbm>>) dst(%dma_wait3A_1165 : memref<128xf32, #tpu.memory_space<vmem>>)
    %dma_wait3A_1171 = arith.constant 3 : i32
    %dma_wait3A_1172 = arith.constant 3 : i32
    %dma_wait3A_1173 = arith.constant 0 : i32
    %dma_wait3A_1174 = tpu.memref_slice %arg9[%dma_wait3A_1172, %dma_wait3A_1173] : memref<4x128xf32, #tpu.memory_space<vmem>> -> memref<1x128xf32, #tpu.memory_space<vmem>>
    %dma_wait3A_1175 = tpu.memref_squeeze %dma_wait3A_1174 : memref<1x128xf32, #tpu.memory_space<vmem>> -> memref<128xf32, #tpu.memory_space<vmem>>
    %dma_wait3A_1176 = arith.constant 0 : i32
    %dma_wait3A_1177 = tpu.memref_slice %arg7[%dma_wait3A_1171, %dma_wait3A_1176] : memref<4x128xi32, #tpu.memory_space<vmem>> -> memref<1x128xi32, #tpu.memory_space<vmem>>
    %dma_wait3A_1178 = tpu.memref_squeeze %dma_wait3A_1177 : memref<1x128xi32, #tpu.memory_space<vmem>> -> memref<128xi32, #tpu.memory_space<vmem>>
    %dma_wait3A_1179 = arith.constant 0 : i32
    %dma_wait3A_1180 = tpu.memref_slice %arg3[%dma_wait3A_1179] : memref<1048576xf32, #tpu.memory_space<hbm>> -> memref<1048576xf32, #tpu.memory_space<hbm>>
    tpu.wait_indirect_dma semaphore(%arg14 : memref<!tpu.dma_semaphore, #tpu.memory_space<semaphore_mem>>) src(%dma_wait3A_1180 : memref<1048576xf32, #tpu.memory_space<hbm>>) dst(%dma_wait3A_1175 : memref<128xf32, #tpu.memory_space<vmem>>)
    %dma_wait3A_1181 = arith.constant 3 : i32
    %dma_wait3A_1182 = arith.constant 3 : i32
    %dma_wait3A_1183 = arith.constant 0 : i32
    %dma_wait3A_1184 = tpu.memref_slice %arg10[%dma_wait3A_1182, %dma_wait3A_1183] : memref<4x128xf32, #tpu.memory_space<vmem>> -> memref<1x128xf32, #tpu.memory_space<vmem>>
    %dma_wait3A_1185 = tpu.memref_squeeze %dma_wait3A_1184 : memref<1x128xf32, #tpu.memory_space<vmem>> -> memref<128xf32, #tpu.memory_space<vmem>>
    %dma_wait3A_1186 = arith.constant 0 : i32
    %dma_wait3A_1187 = tpu.memref_slice %arg8[%dma_wait3A_1181, %dma_wait3A_1186] : memref<4x128xi32, #tpu.memory_space<vmem>> -> memref<1x128xi32, #tpu.memory_space<vmem>>
    %dma_wait3A_1188 = tpu.memref_squeeze %dma_wait3A_1187 : memref<1x128xi32, #tpu.memory_space<vmem>> -> memref<128xi32, #tpu.memory_space<vmem>>
    %dma_wait3A_1189 = arith.constant 0 : i32
    %dma_wait3A_1190 = tpu.memref_slice %arg4[%dma_wait3A_1189] : memref<16384xf32, #tpu.memory_space<hbm>> -> memref<16384xf32, #tpu.memory_space<hbm>>
    tpu.wait_indirect_dma semaphore(%arg15 : memref<!tpu.dma_semaphore, #tpu.memory_space<semaphore_mem>>) src(%dma_wait3A_1190 : memref<16384xf32, #tpu.memory_space<hbm>>) dst(%dma_wait3A_1185 : memref<128xf32, #tpu.memory_space<vmem>>)
    %broadcast_in_dim3A_1191 = arith.constant 0.000000e+00 : f32
    %broadcast_in_dim3A_1192 = vector.broadcast %broadcast_in_dim3A_1191 : f32 to vector<16xf32>
    %get3A_1193 = arith.constant 0 : i32
    %get3A_1194 = arith.index_cast %get3A_1193 : i32 to index
    %get3A_1195 = arith.constant 0 : index
    %get3A_1196 = tpu.vector_load %arg9[%get3A_1194, %get3A_1195] {strides = array<i32>} : memref<4x128xf32, #tpu.memory_space<vmem>>, vector<1x16xf32>,
    %get3A_1197 = vector.shape_cast %get3A_1196 : vector<1x16xf32> to vector<16xf32>
    %get3A_1198 = arith.constant 0 : i32
    %get3A_1199 = arith.index_cast %get3A_1198 : i32 to index
    %get3A_1200 = arith.constant 0 : index
    %get3A_1201 = tpu.vector_load %arg10[%get3A_1199, %get3A_1200] {strides = array<i32>} : memref<4x128xf32, #tpu.memory_space<vmem>>, vector<1x16xf32>,
    %get3A_1202 = vector.shape_cast %get3A_1201 : vector<1x16xf32> to vector<16xf32>
    %eq3A_1203 = arith.constant 0 : i32
    %eq3A_1204 = vector.broadcast %eq3A_1203 : i32 to vector<16xi32>
    %eq3A_1205 = arith.cmpi eq, %iota3A, %eq3A_1204 : vector<16xi32>
    %jit3A_1206 = arith.constant 0.000000e+00 : f32
    %broadcast_in_dim3A_1207 = vector.broadcast %jit3A_1206 : f32 to vector<16xf32>
    %select_n3A_1208 = arith.select %eq3A_1205, %broadcast_in_dim3A_1207, %get3A_1202 : vector<16xi1>, vector<16xf32>
    %add3A_1209 = arith.addf %broadcast_in_dim3A_1192, %get3A_1197 : vector<16xf32>
    %add3A_1210 = arith.addf %add3A_1209, %select_n3A_1208 : vector<16xf32>
    %get3A_1211 = arith.constant 0 : i32
    %get3A_1212 = arith.index_cast %get3A_1211 : i32 to index
    %get3A_1213 = arith.constant 16 : index
    %get3A_1214 = tpu.vector_load %arg9[%get3A_1212, %get3A_1213] {strides = array<i32>} : memref<4x128xf32, #tpu.memory_space<vmem>>, vector<1x16xf32>,
    %get3A_1215 = vector.shape_cast %get3A_1214 : vector<1x16xf32> to vector<16xf32>
    %get3A_1216 = arith.constant 0 : i32
    %get3A_1217 = arith.index_cast %get3A_1216 : i32 to index
    %get3A_1218 = arith.constant 16 : index
    %get3A_1219 = tpu.vector_load %arg10[%get3A_1217, %get3A_1218] {strides = array<i32>} : memref<4x128xf32, #tpu.memory_space<vmem>>, vector<1x16xf32>,
    %get3A_1220 = vector.shape_cast %get3A_1219 : vector<1x16xf32> to vector<16xf32>
    %add3A_1221 = arith.addf %add3A_1210, %get3A_1215 : vector<16xf32>
    %add3A_1222 = arith.addf %add3A_1221, %get3A_1220 : vector<16xf32>
    %get3A_1223 = arith.constant 0 : i32
    %get3A_1224 = arith.index_cast %get3A_1223 : i32 to index
    %get3A_1225 = arith.constant 32 : index
    %get3A_1226 = tpu.vector_load %arg9[%get3A_1224, %get3A_1225] {strides = array<i32>} : memref<4x128xf32, #tpu.memory_space<vmem>>, vector<1x16xf32>,
    %get3A_1227 = vector.shape_cast %get3A_1226 : vector<1x16xf32> to vector<16xf32>
    %get3A_1228 = arith.constant 0 : i32
    %get3A_1229 = arith.index_cast %get3A_1228 : i32 to index
    %get3A_1230 = arith.constant 32 : index
    %get3A_1231 = tpu.vector_load %arg10[%get3A_1229, %get3A_1230] {strides = array<i32>} : memref<4x128xf32, #tpu.memory_space<vmem>>, vector<1x16xf32>,
    %get3A_1232 = vector.shape_cast %get3A_1231 : vector<1x16xf32> to vector<16xf32>
    %add3A_1233 = arith.addf %add3A_1222, %get3A_1227 : vector<16xf32>
    %add3A_1234 = arith.addf %add3A_1233, %get3A_1232 : vector<16xf32>
    %get3A_1235 = arith.constant 0 : i32
    %get3A_1236 = arith.index_cast %get3A_1235 : i32 to index
    %get3A_1237 = arith.constant 48 : index
    %get3A_1238 = tpu.vector_load %arg9[%get3A_1236, %get3A_1237] {strides = array<i32>} : memref<4x128xf32, #tpu.memory_space<vmem>>, vector<1x16xf32>,
    %get3A_1239 = vector.shape_cast %get3A_1238 : vector<1x16xf32> to vector<16xf32>
    %get3A_1240 = arith.constant 0 : i32
    %get3A_1241 = arith.index_cast %get3A_1240 : i32 to index
    %get3A_1242 = arith.constant 48 : index
    %get3A_1243 = tpu.vector_load %arg10[%get3A_1241, %get3A_1242] {strides = array<i32>} : memref<4x128xf32, #tpu.memory_space<vmem>>, vector<1x16xf32>,
    %get3A_1244 = vector.shape_cast %get3A_1243 : vector<1x16xf32> to vector<16xf32>
    %add3A_1245 = arith.addf %add3A_1234, %get3A_1239 : vector<16xf32>
    %add3A_1246 = arith.addf %add3A_1245, %get3A_1244 : vector<16xf32>
    %get3A_1247 = arith.constant 0 : i32
    %get3A_1248 = arith.index_cast %get3A_1247 : i32 to index
    %get3A_1249 = arith.constant 64 : index
    %get3A_1250 = tpu.vector_load %arg9[%get3A_1248, %get3A_1249] {strides = array<i32>} : memref<4x128xf32, #tpu.memory_space<vmem>>, vector<1x16xf32>,
    %get3A_1251 = vector.shape_cast %get3A_1250 : vector<1x16xf32> to vector<16xf32>
    %get3A_1252 = arith.constant 0 : i32
    %get3A_1253 = arith.index_cast %get3A_1252 : i32 to index
    %get3A_1254 = arith.constant 64 : index
    %get3A_1255 = tpu.vector_load %arg10[%get3A_1253, %get3A_1254] {strides = array<i32>} : memref<4x128xf32, #tpu.memory_space<vmem>>, vector<1x16xf32>,
    %get3A_1256 = vector.shape_cast %get3A_1255 : vector<1x16xf32> to vector<16xf32>
    %add3A_1257 = arith.addf %add3A_1246, %get3A_1251 : vector<16xf32>
    %add3A_1258 = arith.addf %add3A_1257, %get3A_1256 : vector<16xf32>
    %get3A_1259 = arith.constant 0 : i32
    %get3A_1260 = arith.index_cast %get3A_1259 : i32 to index
    %get3A_1261 = arith.constant 80 : index
    %get3A_1262 = tpu.vector_load %arg9[%get3A_1260, %get3A_1261] {strides = array<i32>} : memref<4x128xf32, #tpu.memory_space<vmem>>, vector<1x16xf32>,
    %get3A_1263 = vector.shape_cast %get3A_1262 : vector<1x16xf32> to vector<16xf32>
    %get3A_1264 = arith.constant 0 : i32
    %get3A_1265 = arith.index_cast %get3A_1264 : i32 to index
    %get3A_1266 = arith.constant 80 : index
    %get3A_1267 = tpu.vector_load %arg10[%get3A_1265, %get3A_1266] {strides = array<i32>} : memref<4x128xf32, #tpu.memory_space<vmem>>, vector<1x16xf32>,
    %get3A_1268 = vector.shape_cast %get3A_1267 : vector<1x16xf32> to vector<16xf32>
    %add3A_1269 = arith.addf %add3A_1258, %get3A_1263 : vector<16xf32>
    %add3A_1270 = arith.addf %add3A_1269, %get3A_1268 : vector<16xf32>
    %get3A_1271 = arith.constant 0 : i32
    %get3A_1272 = arith.index_cast %get3A_1271 : i32 to index
    %get3A_1273 = arith.constant 96 : index
    %get3A_1274 = tpu.vector_load %arg9[%get3A_1272, %get3A_1273] {strides = array<i32>} : memref<4x128xf32, #tpu.memory_space<vmem>>, vector<1x16xf32>,
    %get3A_1275 = vector.shape_cast %get3A_1274 : vector<1x16xf32> to vector<16xf32>
    %get3A_1276 = arith.constant 0 : i32
    %get3A_1277 = arith.index_cast %get3A_1276 : i32 to index
    %get3A_1278 = arith.constant 96 : index
    %get3A_1279 = tpu.vector_load %arg10[%get3A_1277, %get3A_1278] {strides = array<i32>} : memref<4x128xf32, #tpu.memory_space<vmem>>, vector<1x16xf32>,
    %get3A_1280 = vector.shape_cast %get3A_1279 : vector<1x16xf32> to vector<16xf32>
    %add3A_1281 = arith.addf %add3A_1270, %get3A_1275 : vector<16xf32>
    %add3A_1282 = arith.addf %add3A_1281, %get3A_1280 : vector<16xf32>
    %get3A_1283 = arith.constant 0 : i32
    %get3A_1284 = arith.index_cast %get3A_1283 : i32 to index
    %get3A_1285 = arith.constant 112 : index
    %get3A_1286 = tpu.vector_load %arg9[%get3A_1284, %get3A_1285] {strides = array<i32>} : memref<4x128xf32, #tpu.memory_space<vmem>>, vector<1x16xf32>,
    %get3A_1287 = vector.shape_cast %get3A_1286 : vector<1x16xf32> to vector<16xf32>
    %get3A_1288 = arith.constant 0 : i32
    %get3A_1289 = arith.index_cast %get3A_1288 : i32 to index
    %get3A_1290 = arith.constant 112 : index
    %get3A_1291 = tpu.vector_load %arg10[%get3A_1289, %get3A_1290] {strides = array<i32>} : memref<4x128xf32, #tpu.memory_space<vmem>>, vector<1x16xf32>,
    %get3A_1292 = vector.shape_cast %get3A_1291 : vector<1x16xf32> to vector<16xf32>
    %add3A_1293 = arith.addf %add3A_1282, %get3A_1287 : vector<16xf32>
    %add3A_1294 = arith.addf %add3A_1293, %get3A_1292 : vector<16xf32>
    %get3A_1295 = arith.constant 1 : i32
    %get3A_1296 = arith.index_cast %get3A_1295 : i32 to index
    %get3A_1297 = arith.constant 0 : index
    %get3A_1298 = tpu.vector_load %arg9[%get3A_1296, %get3A_1297] {strides = array<i32>} : memref<4x128xf32, #tpu.memory_space<vmem>>, vector<1x16xf32>,
    %get3A_1299 = vector.shape_cast %get3A_1298 : vector<1x16xf32> to vector<16xf32>
    %get3A_1300 = arith.constant 1 : i32
    %get3A_1301 = arith.index_cast %get3A_1300 : i32 to index
    %get3A_1302 = arith.constant 0 : index
    %get3A_1303 = tpu.vector_load %arg10[%get3A_1301, %get3A_1302] {strides = array<i32>} : memref<4x128xf32, #tpu.memory_space<vmem>>, vector<1x16xf32>,
    %get3A_1304 = vector.shape_cast %get3A_1303 : vector<1x16xf32> to vector<16xf32>
    %add3A_1305 = arith.addf %add3A_1294, %get3A_1299 : vector<16xf32>
    %add3A_1306 = arith.addf %add3A_1305, %get3A_1304 : vector<16xf32>
    %get3A_1307 = arith.constant 1 : i32
    %get3A_1308 = arith.index_cast %get3A_1307 : i32 to index
    %get3A_1309 = arith.constant 16 : index
    %get3A_1310 = tpu.vector_load %arg9[%get3A_1308, %get3A_1309] {strides = array<i32>} : memref<4x128xf32, #tpu.memory_space<vmem>>, vector<1x16xf32>,
    %get3A_1311 = vector.shape_cast %get3A_1310 : vector<1x16xf32> to vector<16xf32>
    %get3A_1312 = arith.constant 1 : i32
    %get3A_1313 = arith.index_cast %get3A_1312 : i32 to index
    %get3A_1314 = arith.constant 16 : index
    %get3A_1315 = tpu.vector_load %arg10[%get3A_1313, %get3A_1314] {strides = array<i32>} : memref<4x128xf32, #tpu.memory_space<vmem>>, vector<1x16xf32>,
    %get3A_1316 = vector.shape_cast %get3A_1315 : vector<1x16xf32> to vector<16xf32>
    %add3A_1317 = arith.addf %add3A_1306, %get3A_1311 : vector<16xf32>
    %add3A_1318 = arith.addf %add3A_1317, %get3A_1316 : vector<16xf32>
    %get3A_1319 = arith.constant 1 : i32
    %get3A_1320 = arith.index_cast %get3A_1319 : i32 to index
    %get3A_1321 = arith.constant 32 : index
    %get3A_1322 = tpu.vector_load %arg9[%get3A_1320, %get3A_1321] {strides = array<i32>} : memref<4x128xf32, #tpu.memory_space<vmem>>, vector<1x16xf32>,
    %get3A_1323 = vector.shape_cast %get3A_1322 : vector<1x16xf32> to vector<16xf32>
    %get3A_1324 = arith.constant 1 : i32
    %get3A_1325 = arith.index_cast %get3A_1324 : i32 to index
    %get3A_1326 = arith.constant 32 : index
    %get3A_1327 = tpu.vector_load %arg10[%get3A_1325, %get3A_1326] {strides = array<i32>} : memref<4x128xf32, #tpu.memory_space<vmem>>, vector<1x16xf32>,
    %get3A_1328 = vector.shape_cast %get3A_1327 : vector<1x16xf32> to vector<16xf32>
    %add3A_1329 = arith.addf %add3A_1318, %get3A_1323 : vector<16xf32>
    %add3A_1330 = arith.addf %add3A_1329, %get3A_1328 : vector<16xf32>
    %get3A_1331 = arith.constant 1 : i32
    %get3A_1332 = arith.index_cast %get3A_1331 : i32 to index
    %get3A_1333 = arith.constant 48 : index
    %get3A_1334 = tpu.vector_load %arg9[%get3A_1332, %get3A_1333] {strides = array<i32>} : memref<4x128xf32, #tpu.memory_space<vmem>>, vector<1x16xf32>,
    %get3A_1335 = vector.shape_cast %get3A_1334 : vector<1x16xf32> to vector<16xf32>
    %get3A_1336 = arith.constant 1 : i32
    %get3A_1337 = arith.index_cast %get3A_1336 : i32 to index
    %get3A_1338 = arith.constant 48 : index
    %get3A_1339 = tpu.vector_load %arg10[%get3A_1337, %get3A_1338] {strides = array<i32>} : memref<4x128xf32, #tpu.memory_space<vmem>>, vector<1x16xf32>,
    %get3A_1340 = vector.shape_cast %get3A_1339 : vector<1x16xf32> to vector<16xf32>
    %add3A_1341 = arith.addf %add3A_1330, %get3A_1335 : vector<16xf32>
    %add3A_1342 = arith.addf %add3A_1341, %get3A_1340 : vector<16xf32>
    %get3A_1343 = arith.constant 1 : i32
    %get3A_1344 = arith.index_cast %get3A_1343 : i32 to index
    %get3A_1345 = arith.constant 64 : index
    %get3A_1346 = tpu.vector_load %arg9[%get3A_1344, %get3A_1345] {strides = array<i32>} : memref<4x128xf32, #tpu.memory_space<vmem>>, vector<1x16xf32>,
    %get3A_1347 = vector.shape_cast %get3A_1346 : vector<1x16xf32> to vector<16xf32>
    %get3A_1348 = arith.constant 1 : i32
    %get3A_1349 = arith.index_cast %get3A_1348 : i32 to index
    %get3A_1350 = arith.constant 64 : index
    %get3A_1351 = tpu.vector_load %arg10[%get3A_1349, %get3A_1350] {strides = array<i32>} : memref<4x128xf32, #tpu.memory_space<vmem>>, vector<1x16xf32>,
    %get3A_1352 = vector.shape_cast %get3A_1351 : vector<1x16xf32> to vector<16xf32>
    %add3A_1353 = arith.addf %add3A_1342, %get3A_1347 : vector<16xf32>
    %add3A_1354 = arith.addf %add3A_1353, %get3A_1352 : vector<16xf32>
    %get3A_1355 = arith.constant 1 : i32
    %get3A_1356 = arith.index_cast %get3A_1355 : i32 to index
    %get3A_1357 = arith.constant 80 : index
    %get3A_1358 = tpu.vector_load %arg9[%get3A_1356, %get3A_1357] {strides = array<i32>} : memref<4x128xf32, #tpu.memory_space<vmem>>, vector<1x16xf32>,
    %get3A_1359 = vector.shape_cast %get3A_1358 : vector<1x16xf32> to vector<16xf32>
    %get3A_1360 = arith.constant 1 : i32
    %get3A_1361 = arith.index_cast %get3A_1360 : i32 to index
    %get3A_1362 = arith.constant 80 : index
    %get3A_1363 = tpu.vector_load %arg10[%get3A_1361, %get3A_1362] {strides = array<i32>} : memref<4x128xf32, #tpu.memory_space<vmem>>, vector<1x16xf32>,
    %get3A_1364 = vector.shape_cast %get3A_1363 : vector<1x16xf32> to vector<16xf32>
    %add3A_1365 = arith.addf %add3A_1354, %get3A_1359 : vector<16xf32>
    %add3A_1366 = arith.addf %add3A_1365, %get3A_1364 : vector<16xf32>
    %get3A_1367 = arith.constant 1 : i32
    %get3A_1368 = arith.index_cast %get3A_1367 : i32 to index
    %get3A_1369 = arith.constant 96 : index
    %get3A_1370 = tpu.vector_load %arg9[%get3A_1368, %get3A_1369] {strides = array<i32>} : memref<4x128xf32, #tpu.memory_space<vmem>>, vector<1x16xf32>,
    %get3A_1371 = vector.shape_cast %get3A_1370 : vector<1x16xf32> to vector<16xf32>
    %get3A_1372 = arith.constant 1 : i32
    %get3A_1373 = arith.index_cast %get3A_1372 : i32 to index
    %get3A_1374 = arith.constant 96 : index
    %get3A_1375 = tpu.vector_load %arg10[%get3A_1373, %get3A_1374] {strides = array<i32>} : memref<4x128xf32, #tpu.memory_space<vmem>>, vector<1x16xf32>,
    %get3A_1376 = vector.shape_cast %get3A_1375 : vector<1x16xf32> to vector<16xf32>
    %add3A_1377 = arith.addf %add3A_1366, %get3A_1371 : vector<16xf32>
    %add3A_1378 = arith.addf %add3A_1377, %get3A_1376 : vector<16xf32>
    %get3A_1379 = arith.constant 1 : i32
    %get3A_1380 = arith.index_cast %get3A_1379 : i32 to index
    %get3A_1381 = arith.constant 112 : index
    %get3A_1382 = tpu.vector_load %arg9[%get3A_1380, %get3A_1381] {strides = array<i32>} : memref<4x128xf32, #tpu.memory_space<vmem>>, vector<1x16xf32>,
    %get3A_1383 = vector.shape_cast %get3A_1382 : vector<1x16xf32> to vector<16xf32>
    %get3A_1384 = arith.constant 1 : i32
    %get3A_1385 = arith.index_cast %get3A_1384 : i32 to index
    %get3A_1386 = arith.constant 112 : index
    %get3A_1387 = tpu.vector_load %arg10[%get3A_1385, %get3A_1386] {strides = array<i32>} : memref<4x128xf32, #tpu.memory_space<vmem>>, vector<1x16xf32>,
    %get3A_1388 = vector.shape_cast %get3A_1387 : vector<1x16xf32> to vector<16xf32>
    %add3A_1389 = arith.addf %add3A_1378, %get3A_1383 : vector<16xf32>
    %add3A_1390 = arith.addf %add3A_1389, %get3A_1388 : vector<16xf32>
    %get3A_1391 = arith.constant 2 : i32
    %get3A_1392 = arith.index_cast %get3A_1391 : i32 to index
    %get3A_1393 = arith.constant 0 : index
    %get3A_1394 = tpu.vector_load %arg9[%get3A_1392, %get3A_1393] {strides = array<i32>} : memref<4x128xf32, #tpu.memory_space<vmem>>, vector<1x16xf32>,
    %get3A_1395 = vector.shape_cast %get3A_1394 : vector<1x16xf32> to vector<16xf32>
    %get3A_1396 = arith.constant 2 : i32
    %get3A_1397 = arith.index_cast %get3A_1396 : i32 to index
    %get3A_1398 = arith.constant 0 : index
    %get3A_1399 = tpu.vector_load %arg10[%get3A_1397, %get3A_1398] {strides = array<i32>} : memref<4x128xf32, #tpu.memory_space<vmem>>, vector<1x16xf32>,
    %get3A_1400 = vector.shape_cast %get3A_1399 : vector<1x16xf32> to vector<16xf32>
    %add3A_1401 = arith.addf %add3A_1390, %get3A_1395 : vector<16xf32>
    %add3A_1402 = arith.addf %add3A_1401, %get3A_1400 : vector<16xf32>
    %get3A_1403 = arith.constant 2 : i32
    %get3A_1404 = arith.index_cast %get3A_1403 : i32 to index
    %get3A_1405 = arith.constant 16 : index
    %get3A_1406 = tpu.vector_load %arg9[%get3A_1404, %get3A_1405] {strides = array<i32>} : memref<4x128xf32, #tpu.memory_space<vmem>>, vector<1x16xf32>,
    %get3A_1407 = vector.shape_cast %get3A_1406 : vector<1x16xf32> to vector<16xf32>
    %get3A_1408 = arith.constant 2 : i32
    %get3A_1409 = arith.index_cast %get3A_1408 : i32 to index
    %get3A_1410 = arith.constant 16 : index
    %get3A_1411 = tpu.vector_load %arg10[%get3A_1409, %get3A_1410] {strides = array<i32>} : memref<4x128xf32, #tpu.memory_space<vmem>>, vector<1x16xf32>,
    %get3A_1412 = vector.shape_cast %get3A_1411 : vector<1x16xf32> to vector<16xf32>
    %add3A_1413 = arith.addf %add3A_1402, %get3A_1407 : vector<16xf32>
    %add3A_1414 = arith.addf %add3A_1413, %get3A_1412 : vector<16xf32>
    %get3A_1415 = arith.constant 2 : i32
    %get3A_1416 = arith.index_cast %get3A_1415 : i32 to index
    %get3A_1417 = arith.constant 32 : index
    %get3A_1418 = tpu.vector_load %arg9[%get3A_1416, %get3A_1417] {strides = array<i32>} : memref<4x128xf32, #tpu.memory_space<vmem>>, vector<1x16xf32>,
    %get3A_1419 = vector.shape_cast %get3A_1418 : vector<1x16xf32> to vector<16xf32>
    %get3A_1420 = arith.constant 2 : i32
    %get3A_1421 = arith.index_cast %get3A_1420 : i32 to index
    %get3A_1422 = arith.constant 32 : index
    %get3A_1423 = tpu.vector_load %arg10[%get3A_1421, %get3A_1422] {strides = array<i32>} : memref<4x128xf32, #tpu.memory_space<vmem>>, vector<1x16xf32>,
    %get3A_1424 = vector.shape_cast %get3A_1423 : vector<1x16xf32> to vector<16xf32>
    %add3A_1425 = arith.addf %add3A_1414, %get3A_1419 : vector<16xf32>
    %add3A_1426 = arith.addf %add3A_1425, %get3A_1424 : vector<16xf32>
    %get3A_1427 = arith.constant 2 : i32
    %get3A_1428 = arith.index_cast %get3A_1427 : i32 to index
    %get3A_1429 = arith.constant 48 : index
    %get3A_1430 = tpu.vector_load %arg9[%get3A_1428, %get3A_1429] {strides = array<i32>} : memref<4x128xf32, #tpu.memory_space<vmem>>, vector<1x16xf32>,
    %get3A_1431 = vector.shape_cast %get3A_1430 : vector<1x16xf32> to vector<16xf32>
    %get3A_1432 = arith.constant 2 : i32
    %get3A_1433 = arith.index_cast %get3A_1432 : i32 to index
    %get3A_1434 = arith.constant 48 : index
    %get3A_1435 = tpu.vector_load %arg10[%get3A_1433, %get3A_1434] {strides = array<i32>} : memref<4x128xf32, #tpu.memory_space<vmem>>, vector<1x16xf32>,
    %get3A_1436 = vector.shape_cast %get3A_1435 : vector<1x16xf32> to vector<16xf32>
    %add3A_1437 = arith.addf %add3A_1426, %get3A_1431 : vector<16xf32>
    %add3A_1438 = arith.addf %add3A_1437, %get3A_1436 : vector<16xf32>
    %get3A_1439 = arith.constant 2 : i32
    %get3A_1440 = arith.index_cast %get3A_1439 : i32 to index
    %get3A_1441 = arith.constant 64 : index
    %get3A_1442 = tpu.vector_load %arg9[%get3A_1440, %get3A_1441] {strides = array<i32>} : memref<4x128xf32, #tpu.memory_space<vmem>>, vector<1x16xf32>,
    %get3A_1443 = vector.shape_cast %get3A_1442 : vector<1x16xf32> to vector<16xf32>
    %get3A_1444 = arith.constant 2 : i32
    %get3A_1445 = arith.index_cast %get3A_1444 : i32 to index
    %get3A_1446 = arith.constant 64 : index
    %get3A_1447 = tpu.vector_load %arg10[%get3A_1445, %get3A_1446] {strides = array<i32>} : memref<4x128xf32, #tpu.memory_space<vmem>>, vector<1x16xf32>,
    %get3A_1448 = vector.shape_cast %get3A_1447 : vector<1x16xf32> to vector<16xf32>
    %add3A_1449 = arith.addf %add3A_1438, %get3A_1443 : vector<16xf32>
    %add3A_1450 = arith.addf %add3A_1449, %get3A_1448 : vector<16xf32>
    %get3A_1451 = arith.constant 2 : i32
    %get3A_1452 = arith.index_cast %get3A_1451 : i32 to index
    %get3A_1453 = arith.constant 80 : index
    %get3A_1454 = tpu.vector_load %arg9[%get3A_1452, %get3A_1453] {strides = array<i32>} : memref<4x128xf32, #tpu.memory_space<vmem>>, vector<1x16xf32>,
    %get3A_1455 = vector.shape_cast %get3A_1454 : vector<1x16xf32> to vector<16xf32>
    %get3A_1456 = arith.constant 2 : i32
    %get3A_1457 = arith.index_cast %get3A_1456 : i32 to index
    %get3A_1458 = arith.constant 80 : index
    %get3A_1459 = tpu.vector_load %arg10[%get3A_1457, %get3A_1458] {strides = array<i32>} : memref<4x128xf32, #tpu.memory_space<vmem>>, vector<1x16xf32>,
    %get3A_1460 = vector.shape_cast %get3A_1459 : vector<1x16xf32> to vector<16xf32>
    %add3A_1461 = arith.addf %add3A_1450, %get3A_1455 : vector<16xf32>
    %add3A_1462 = arith.addf %add3A_1461, %get3A_1460 : vector<16xf32>
    %get3A_1463 = arith.constant 2 : i32
    %get3A_1464 = arith.index_cast %get3A_1463 : i32 to index
    %get3A_1465 = arith.constant 96 : index
    %get3A_1466 = tpu.vector_load %arg9[%get3A_1464, %get3A_1465] {strides = array<i32>} : memref<4x128xf32, #tpu.memory_space<vmem>>, vector<1x16xf32>,
    %get3A_1467 = vector.shape_cast %get3A_1466 : vector<1x16xf32> to vector<16xf32>
    %get3A_1468 = arith.constant 2 : i32
    %get3A_1469 = arith.index_cast %get3A_1468 : i32 to index
    %get3A_1470 = arith.constant 96 : index
    %get3A_1471 = tpu.vector_load %arg10[%get3A_1469, %get3A_1470] {strides = array<i32>} : memref<4x128xf32, #tpu.memory_space<vmem>>, vector<1x16xf32>,
    %get3A_1472 = vector.shape_cast %get3A_1471 : vector<1x16xf32> to vector<16xf32>
    %add3A_1473 = arith.addf %add3A_1462, %get3A_1467 : vector<16xf32>
    %add3A_1474 = arith.addf %add3A_1473, %get3A_1472 : vector<16xf32>
    %get3A_1475 = arith.constant 2 : i32
    %get3A_1476 = arith.index_cast %get3A_1475 : i32 to index
    %get3A_1477 = arith.constant 112 : index
    %get3A_1478 = tpu.vector_load %arg9[%get3A_1476, %get3A_1477] {strides = array<i32>} : memref<4x128xf32, #tpu.memory_space<vmem>>, vector<1x16xf32>,
    %get3A_1479 = vector.shape_cast %get3A_1478 : vector<1x16xf32> to vector<16xf32>
    %get3A_1480 = arith.constant 2 : i32
    %get3A_1481 = arith.index_cast %get3A_1480 : i32 to index
    %get3A_1482 = arith.constant 112 : index
    %get3A_1483 = tpu.vector_load %arg10[%get3A_1481, %get3A_1482] {strides = array<i32>} : memref<4x128xf32, #tpu.memory_space<vmem>>, vector<1x16xf32>,
    %get3A_1484 = vector.shape_cast %get3A_1483 : vector<1x16xf32> to vector<16xf32>
    %add3A_1485 = arith.addf %add3A_1474, %get3A_1479 : vector<16xf32>
    %add3A_1486 = arith.addf %add3A_1485, %get3A_1484 : vector<16xf32>
    %get3A_1487 = arith.constant 3 : i32
    %get3A_1488 = arith.index_cast %get3A_1487 : i32 to index
    %get3A_1489 = arith.constant 0 : index
    %get3A_1490 = tpu.vector_load %arg9[%get3A_1488, %get3A_1489] {strides = array<i32>} : memref<4x128xf32, #tpu.memory_space<vmem>>, vector<1x16xf32>,
    %get3A_1491 = vector.shape_cast %get3A_1490 : vector<1x16xf32> to vector<16xf32>
    %get3A_1492 = arith.constant 3 : i32
    %get3A_1493 = arith.index_cast %get3A_1492 : i32 to index
    %get3A_1494 = arith.constant 0 : index
    %get3A_1495 = tpu.vector_load %arg10[%get3A_1493, %get3A_1494] {strides = array<i32>} : memref<4x128xf32, #tpu.memory_space<vmem>>, vector<1x16xf32>,
    %get3A_1496 = vector.shape_cast %get3A_1495 : vector<1x16xf32> to vector<16xf32>
    %add3A_1497 = arith.addf %add3A_1486, %get3A_1491 : vector<16xf32>
    %add3A_1498 = arith.addf %add3A_1497, %get3A_1496 : vector<16xf32>
    %get3A_1499 = arith.constant 3 : i32
    %get3A_1500 = arith.index_cast %get3A_1499 : i32 to index
    %get3A_1501 = arith.constant 16 : index
    %get3A_1502 = tpu.vector_load %arg9[%get3A_1500, %get3A_1501] {strides = array<i32>} : memref<4x128xf32, #tpu.memory_space<vmem>>, vector<1x16xf32>,
    %get3A_1503 = vector.shape_cast %get3A_1502 : vector<1x16xf32> to vector<16xf32>
    %get3A_1504 = arith.constant 3 : i32
    %get3A_1505 = arith.index_cast %get3A_1504 : i32 to index
    %get3A_1506 = arith.constant 16 : index
    %get3A_1507 = tpu.vector_load %arg10[%get3A_1505, %get3A_1506] {strides = array<i32>} : memref<4x128xf32, #tpu.memory_space<vmem>>, vector<1x16xf32>,
    %get3A_1508 = vector.shape_cast %get3A_1507 : vector<1x16xf32> to vector<16xf32>
    %add3A_1509 = arith.addf %add3A_1498, %get3A_1503 : vector<16xf32>
    %add3A_1510 = arith.addf %add3A_1509, %get3A_1508 : vector<16xf32>
    %get3A_1511 = arith.constant 3 : i32
    %get3A_1512 = arith.index_cast %get3A_1511 : i32 to index
    %get3A_1513 = arith.constant 32 : index
    %get3A_1514 = tpu.vector_load %arg9[%get3A_1512, %get3A_1513] {strides = array<i32>} : memref<4x128xf32, #tpu.memory_space<vmem>>, vector<1x16xf32>,
    %get3A_1515 = vector.shape_cast %get3A_1514 : vector<1x16xf32> to vector<16xf32>
    %get3A_1516 = arith.constant 3 : i32
    %get3A_1517 = arith.index_cast %get3A_1516 : i32 to index
    %get3A_1518 = arith.constant 32 : index
    %get3A_1519 = tpu.vector_load %arg10[%get3A_1517, %get3A_1518] {strides = array<i32>} : memref<4x128xf32, #tpu.memory_space<vmem>>, vector<1x16xf32>,
    %get3A_1520 = vector.shape_cast %get3A_1519 : vector<1x16xf32> to vector<16xf32>
    %add3A_1521 = arith.addf %add3A_1510, %get3A_1515 : vector<16xf32>
    %add3A_1522 = arith.addf %add3A_1521, %get3A_1520 : vector<16xf32>
    %get3A_1523 = arith.constant 3 : i32
    %get3A_1524 = arith.index_cast %get3A_1523 : i32 to index
    %get3A_1525 = arith.constant 48 : index
    %get3A_1526 = tpu.vector_load %arg9[%get3A_1524, %get3A_1525] {strides = array<i32>} : memref<4x128xf32, #tpu.memory_space<vmem>>, vector<1x16xf32>,
    %get3A_1527 = vector.shape_cast %get3A_1526 : vector<1x16xf32> to vector<16xf32>
    %get3A_1528 = arith.constant 3 : i32
    %get3A_1529 = arith.index_cast %get3A_1528 : i32 to index
    %get3A_1530 = arith.constant 48 : index
    %get3A_1531 = tpu.vector_load %arg10[%get3A_1529, %get3A_1530] {strides = array<i32>} : memref<4x128xf32, #tpu.memory_space<vmem>>, vector<1x16xf32>,
    %get3A_1532 = vector.shape_cast %get3A_1531 : vector<1x16xf32> to vector<16xf32>
    %add3A_1533 = arith.addf %add3A_1522, %get3A_1527 : vector<16xf32>
    %add3A_1534 = arith.addf %add3A_1533, %get3A_1532 : vector<16xf32>
    %get3A_1535 = arith.constant 3 : i32
    %get3A_1536 = arith.index_cast %get3A_1535 : i32 to index
    %get3A_1537 = arith.constant 64 : index
    %get3A_1538 = tpu.vector_load %arg9[%get3A_1536, %get3A_1537] {strides = array<i32>} : memref<4x128xf32, #tpu.memory_space<vmem>>, vector<1x16xf32>,
    %get3A_1539 = vector.shape_cast %get3A_1538 : vector<1x16xf32> to vector<16xf32>
    %get3A_1540 = arith.constant 3 : i32
    %get3A_1541 = arith.index_cast %get3A_1540 : i32 to index
    %get3A_1542 = arith.constant 64 : index
    %get3A_1543 = tpu.vector_load %arg10[%get3A_1541, %get3A_1542] {strides = array<i32>} : memref<4x128xf32, #tpu.memory_space<vmem>>, vector<1x16xf32>,
    %get3A_1544 = vector.shape_cast %get3A_1543 : vector<1x16xf32> to vector<16xf32>
    %add3A_1545 = arith.addf %add3A_1534, %get3A_1539 : vector<16xf32>
    %add3A_1546 = arith.addf %add3A_1545, %get3A_1544 : vector<16xf32>
    %get3A_1547 = arith.constant 3 : i32
    %get3A_1548 = arith.index_cast %get3A_1547 : i32 to index
    %get3A_1549 = arith.constant 80 : index
    %get3A_1550 = tpu.vector_load %arg9[%get3A_1548, %get3A_1549] {strides = array<i32>} : memref<4x128xf32, #tpu.memory_space<vmem>>, vector<1x16xf32>,
    %get3A_1551 = vector.shape_cast %get3A_1550 : vector<1x16xf32> to vector<16xf32>
    %get3A_1552 = arith.constant 3 : i32
    %get3A_1553 = arith.index_cast %get3A_1552 : i32 to index
    %get3A_1554 = arith.constant 80 : index
    %get3A_1555 = tpu.vector_load %arg10[%get3A_1553, %get3A_1554] {strides = array<i32>} : memref<4x128xf32, #tpu.memory_space<vmem>>, vector<1x16xf32>,
    %get3A_1556 = vector.shape_cast %get3A_1555 : vector<1x16xf32> to vector<16xf32>
    %add3A_1557 = arith.addf %add3A_1546, %get3A_1551 : vector<16xf32>
    %add3A_1558 = arith.addf %add3A_1557, %get3A_1556 : vector<16xf32>
    %get3A_1559 = arith.constant 3 : i32
    %get3A_1560 = arith.index_cast %get3A_1559 : i32 to index
    %get3A_1561 = arith.constant 96 : index
    %get3A_1562 = tpu.vector_load %arg9[%get3A_1560, %get3A_1561] {strides = array<i32>} : memref<4x128xf32, #tpu.memory_space<vmem>>, vector<1x16xf32>,
    %get3A_1563 = vector.shape_cast %get3A_1562 : vector<1x16xf32> to vector<16xf32>
    %get3A_1564 = arith.constant 3 : i32
    %get3A_1565 = arith.index_cast %get3A_1564 : i32 to index
    %get3A_1566 = arith.constant 96 : index
    %get3A_1567 = tpu.vector_load %arg10[%get3A_1565, %get3A_1566] {strides = array<i32>} : memref<4x128xf32, #tpu.memory_space<vmem>>, vector<1x16xf32>,
    %get3A_1568 = vector.shape_cast %get3A_1567 : vector<1x16xf32> to vector<16xf32>
    %add3A_1569 = arith.addf %add3A_1558, %get3A_1563 : vector<16xf32>
    %add3A_1570 = arith.addf %add3A_1569, %get3A_1568 : vector<16xf32>
    %get3A_1571 = arith.constant 3 : i32
    %get3A_1572 = arith.index_cast %get3A_1571 : i32 to index
    %get3A_1573 = arith.constant 112 : index
    %get3A_1574 = tpu.vector_load %arg9[%get3A_1572, %get3A_1573] {strides = array<i32>} : memref<4x128xf32, #tpu.memory_space<vmem>>, vector<1x16xf32>,
    %get3A_1575 = vector.shape_cast %get3A_1574 : vector<1x16xf32> to vector<16xf32>
    %get3A_1576 = arith.constant 3 : i32
    %get3A_1577 = arith.index_cast %get3A_1576 : i32 to index
    %get3A_1578 = arith.constant 112 : index
    %get3A_1579 = tpu.vector_load %arg10[%get3A_1577, %get3A_1578] {strides = array<i32>} : memref<4x128xf32, #tpu.memory_space<vmem>>, vector<1x16xf32>,
    %get3A_1580 = vector.shape_cast %get3A_1579 : vector<1x16xf32> to vector<16xf32>
    %add3A_1581 = arith.addf %add3A_1570, %get3A_1575 : vector<16xf32>
    %add3A_1582 = arith.addf %add3A_1581, %get3A_1580 : vector<16xf32>
    %slice3A = vector.extract_strided_slice %add3A_1582 {offsets = [0], sizes = [1], strides = [1]} : vector<16xf32> to vector<1xf32>
    %squeeze3A = vector.extract %slice3A[0] : f32 from vector<1xf32>
    %slice3A_1583 = vector.extract_strided_slice %add3A_1582 {offsets = [1], sizes = [1], strides = [1]} : vector<16xf32> to vector<1xf32>
    %squeeze3A_1584 = vector.extract %slice3A_1583[0] : f32 from vector<1xf32>
    %add3A_1585 = arith.addf %squeeze3A, %squeeze3A_1584 : f32
    %slice3A_1586 = vector.extract_strided_slice %add3A_1582 {offsets = [2], sizes = [1], strides = [1]} : vector<16xf32> to vector<1xf32>
    %squeeze3A_1587 = vector.extract %slice3A_1586[0] : f32 from vector<1xf32>
    %add3A_1588 = arith.addf %add3A_1585, %squeeze3A_1587 : f32
    %slice3A_1589 = vector.extract_strided_slice %add3A_1582 {offsets = [3], sizes = [1], strides = [1]} : vector<16xf32> to vector<1xf32>
    %squeeze3A_1590 = vector.extract %slice3A_1589[0] : f32 from vector<1xf32>
    %add3A_1591 = arith.addf %add3A_1588, %squeeze3A_1590 : f32
    %slice3A_1592 = vector.extract_strided_slice %add3A_1582 {offsets = [4], sizes = [1], strides = [1]} : vector<16xf32> to vector<1xf32>
    %squeeze3A_1593 = vector.extract %slice3A_1592[0] : f32 from vector<1xf32>
    %add3A_1594 = arith.addf %add3A_1591, %squeeze3A_1593 : f32
    %slice3A_1595 = vector.extract_strided_slice %add3A_1582 {offsets = [5], sizes = [1], strides = [1]} : vector<16xf32> to vector<1xf32>
    %squeeze3A_1596 = vector.extract %slice3A_1595[0] : f32 from vector<1xf32>
    %add3A_1597 = arith.addf %add3A_1594, %squeeze3A_1596 : f32
    %slice3A_1598 = vector.extract_strided_slice %add3A_1582 {offsets = [6], sizes = [1], strides = [1]} : vector<16xf32> to vector<1xf32>
    %squeeze3A_1599 = vector.extract %slice3A_1598[0] : f32 from vector<1xf32>
    %add3A_1600 = arith.addf %add3A_1597, %squeeze3A_1599 : f32
    %slice3A_1601 = vector.extract_strided_slice %add3A_1582 {offsets = [7], sizes = [1], strides = [1]} : vector<16xf32> to vector<1xf32>
    %squeeze3A_1602 = vector.extract %slice3A_1601[0] : f32 from vector<1xf32>
    %add3A_1603 = arith.addf %add3A_1600, %squeeze3A_1602 : f32
    %slice3A_1604 = vector.extract_strided_slice %add3A_1582 {offsets = [8], sizes = [1], strides = [1]} : vector<16xf32> to vector<1xf32>
    %squeeze3A_1605 = vector.extract %slice3A_1604[0] : f32 from vector<1xf32>
    %add3A_1606 = arith.addf %add3A_1603, %squeeze3A_1605 : f32
    %slice3A_1607 = vector.extract_strided_slice %add3A_1582 {offsets = [9], sizes = [1], strides = [1]} : vector<16xf32> to vector<1xf32>
    %squeeze3A_1608 = vector.extract %slice3A_1607[0] : f32 from vector<1xf32>
    %add3A_1609 = arith.addf %add3A_1606, %squeeze3A_1608 : f32
    %slice3A_1610 = vector.extract_strided_slice %add3A_1582 {offsets = [10], sizes = [1], strides = [1]} : vector<16xf32> to vector<1xf32>
    %squeeze3A_1611 = vector.extract %slice3A_1610[0] : f32 from vector<1xf32>
    %add3A_1612 = arith.addf %add3A_1609, %squeeze3A_1611 : f32
    %slice3A_1613 = vector.extract_strided_slice %add3A_1582 {offsets = [11], sizes = [1], strides = [1]} : vector<16xf32> to vector<1xf32>
    %squeeze3A_1614 = vector.extract %slice3A_1613[0] : f32 from vector<1xf32>
    %add3A_1615 = arith.addf %add3A_1612, %squeeze3A_1614 : f32
    %slice3A_1616 = vector.extract_strided_slice %add3A_1582 {offsets = [12], sizes = [1], strides = [1]} : vector<16xf32> to vector<1xf32>
    %squeeze3A_1617 = vector.extract %slice3A_1616[0] : f32 from vector<1xf32>
    %add3A_1618 = arith.addf %add3A_1615, %squeeze3A_1617 : f32
    %slice3A_1619 = vector.extract_strided_slice %add3A_1582 {offsets = [13], sizes = [1], strides = [1]} : vector<16xf32> to vector<1xf32>
    %squeeze3A_1620 = vector.extract %slice3A_1619[0] : f32 from vector<1xf32>
    %add3A_1621 = arith.addf %add3A_1618, %squeeze3A_1620 : f32
    %slice3A_1622 = vector.extract_strided_slice %add3A_1582 {offsets = [14], sizes = [1], strides = [1]} : vector<16xf32> to vector<1xf32>
    %squeeze3A_1623 = vector.extract %slice3A_1622[0] : f32 from vector<1xf32>
    %add3A_1624 = arith.addf %add3A_1621, %squeeze3A_1623 : f32
    %slice3A_1625 = vector.extract_strided_slice %add3A_1582 {offsets = [15], sizes = [1], strides = [1]} : vector<16xf32> to vector<1xf32>
    %squeeze3A_1626 = vector.extract %slice3A_1625[0] : f32 from vector<1xf32>
    %add3A_1627 = arith.addf %add3A_1624, %squeeze3A_1626 : f32
    %broadcast_in_dim3A_1628 = vector.broadcast %add3A_1627 : f32 to vector<16xf32>
    %swap3A_1629 = arith.constant 0 : index
    %swap3A_1630 = tpu.vector_load %arg11[%swap3A_1629] {strides = array<i32>} : memref<16xf32, #tpu.memory_space<vmem>>, vector<16xf32>,
    %swap3A_1631 = vector.shape_cast %swap3A_1630 : vector<16xf32> to vector<16xf32>
    %swap3A_1632 = vector.shape_cast %broadcast_in_dim3A_1628 : vector<16xf32> to vector<16xf32>
    tpu.vector_store %arg11[%swap3A_1629], %swap3A_1632 {strides = array<i32>} : memref<16xf32, #tpu.memory_space<vmem>>, vector<16xf32>,
    %mul3A_1633 = arith.constant 16 : i32
    %mul3A_1634 = arith.muli %arg1, %mul3A_1633 : i32
    "tpu.region"() ({
      %run_scoped3A = tpu.sem_alloc : memref<!tpu.dma_semaphore, #tpu.memory_space<semaphore_mem>>
      %dma_start3A_1638 = tpu.memref_slice %arg13[%mul3A_1634] : memref<256xf32, #tpu.memory_space<vmem_shared>> -> memref<16xf32, #tpu.memory_space<vmem_shared>>
      %dma_start3A_1639 = tpu.memref_slice %arg13[%mul3A_1634] : memref<256xf32, #tpu.memory_space<vmem_shared>> -> memref<16xf32, #tpu.memory_space<vmem_shared>>
      tpu.enqueue_dma source(%arg11 : memref<16xf32, #tpu.memory_space<vmem>>) target(%dma_start3A_1639 : memref<16xf32, #tpu.memory_space<vmem_shared>>) target_semaphore(%run_scoped3A : memref<!tpu.dma_semaphore, #tpu.memory_space<semaphore_mem>>)
      %dma_wait3A_1640 = tpu.memref_slice %arg13[%mul3A_1634] : memref<256xf32, #tpu.memory_space<vmem_shared>> -> memref<16xf32, #tpu.memory_space<vmem_shared>>
      %dma_wait3A_1641 = tpu.memref_slice %arg13[%mul3A_1634] : memref<256xf32, #tpu.memory_space<vmem_shared>> -> memref<16xf32, #tpu.memory_space<vmem_shared>>
      tpu.wait_dma2 semaphore(%run_scoped3A : memref<!tpu.dma_semaphore, #tpu.memory_space<semaphore_mem>>) src(%arg11 : memref<16xf32, #tpu.memory_space<vmem>>) dst(%dma_wait3A_1641 : memref<16xf32, #tpu.memory_space<vmem_shared>>)
      tpu.yield
    }) : () -> ()
    %barrier3A = arith.constant 0 : index
    tpu.barrier barrier_id(%barrier3A)
    %eq3A_1635 = arith.constant 0 : i32
    %eq3A_1636 = arith.cmpi eq, %arg1, %eq3A_1635 : i32
    %convert_element_type3A = arith.extui %eq3A_1636 : i1 to i32
    %cond3A = arith.constant 0 : i32
    %cond3A_1637 = arith.cmpi ne, %convert_element_type3A, %cond3A : i32
    scf.if %cond3A_1637 {
      "tpu.region"() ({
        %run_scoped3A = tpu.sem_alloc : memref<!tpu.dma_semaphore, #tpu.memory_space<semaphore_mem>>
        tpu.enqueue_dma source(%arg13 : memref<256xf32, #tpu.memory_space<vmem_shared>>) target(%arg12 : memref<256xf32, #tpu.memory_space<vmem>>) target_semaphore(%run_scoped3A : memref<!tpu.dma_semaphore, #tpu.memory_space<semaphore_mem>>)
        tpu.wait_dma2 semaphore(%run_scoped3A : memref<!tpu.dma_semaphore, #tpu.memory_space<semaphore_mem>>) src(%arg13 : memref<256xf32, #tpu.memory_space<vmem_shared>>) dst(%arg12 : memref<256xf32, #tpu.memory_space<vmem>>)
        tpu.yield
      }) : () -> ()
      %broadcast_in_dim3A_1638 = arith.constant 0.000000e+00 : f32
      %broadcast_in_dim3A_1639 = vector.broadcast %broadcast_in_dim3A_1638 : f32 to vector<16xf32>
      %get3A_1640 = arith.constant 0 : index
      %get3A_1641 = tpu.vector_load %arg12[%get3A_1640] {strides = array<i32>} : memref<256xf32, #tpu.memory_space<vmem>>, vector<16xf32>,
      %get3A_1642 = vector.shape_cast %get3A_1641 : vector<16xf32> to vector<16xf32>
      %get3A_1643 = arith.constant 16 : index
      %get3A_1644 = tpu.vector_load %arg12[%get3A_1643] {strides = array<i32>} : memref<256xf32, #tpu.memory_space<vmem>>, vector<16xf32>,
      %get3A_1645 = vector.shape_cast %get3A_1644 : vector<16xf32> to vector<16xf32>
      %sub3A_1646 = arith.subf %get3A_1645, %get3A_1642 : vector<16xf32>
      %max3A = arith.constant 0.000000e+00 : f32
      %max3A_1647 = vector.broadcast %max3A : f32 to vector<16xf32>
      %max3A_1648 = arith.maximumf %sub3A_1646, %max3A_1647 : vector<16xf32>
      %add3A_1649 = arith.addf %broadcast_in_dim3A_1639, %max3A_1648 : vector<16xf32>
      %get3A_1650 = arith.constant 32 : index
      %get3A_1651 = tpu.vector_load %arg12[%get3A_1650] {strides = array<i32>} : memref<256xf32, #tpu.memory_space<vmem>>, vector<16xf32>,
      %get3A_1652 = vector.shape_cast %get3A_1651 : vector<16xf32> to vector<16xf32>
      %get3A_1653 = arith.constant 48 : index
      %get3A_1654 = tpu.vector_load %arg12[%get3A_1653] {strides = array<i32>} : memref<256xf32, #tpu.memory_space<vmem>>, vector<16xf32>,
      %get3A_1655 = vector.shape_cast %get3A_1654 : vector<16xf32> to vector<16xf32>
      %sub3A_1656 = arith.subf %get3A_1655, %get3A_1652 : vector<16xf32>
      %max3A_1657 = arith.constant 0.000000e+00 : f32
      %max3A_1658 = vector.broadcast %max3A_1657 : f32 to vector<16xf32>
      %max3A_1659 = arith.maximumf %sub3A_1656, %max3A_1658 : vector<16xf32>
      %add3A_1660 = arith.addf %add3A_1649, %max3A_1659 : vector<16xf32>
      %get3A_1661 = arith.constant 64 : index
      %get3A_1662 = tpu.vector_load %arg12[%get3A_1661] {strides = array<i32>} : memref<256xf32, #tpu.memory_space<vmem>>, vector<16xf32>,
      %get3A_1663 = vector.shape_cast %get3A_1662 : vector<16xf32> to vector<16xf32>
      %get3A_1664 = arith.constant 80 : index
      %get3A_1665 = tpu.vector_load %arg12[%get3A_1664] {strides = array<i32>} : memref<256xf32, #tpu.memory_space<vmem>>, vector<16xf32>,
      %get3A_1666 = vector.shape_cast %get3A_1665 : vector<16xf32> to vector<16xf32>
      %sub3A_1667 = arith.subf %get3A_1666, %get3A_1663 : vector<16xf32>
      %max3A_1668 = arith.constant 0.000000e+00 : f32
      %max3A_1669 = vector.broadcast %max3A_1668 : f32 to vector<16xf32>
      %max3A_1670 = arith.maximumf %sub3A_1667, %max3A_1669 : vector<16xf32>
      %add3A_1671 = arith.addf %add3A_1660, %max3A_1670 : vector<16xf32>
      %get3A_1672 = arith.constant 96 : index
      %get3A_1673 = tpu.vector_load %arg12[%get3A_1672] {strides = array<i32>} : memref<256xf32, #tpu.memory_space<vmem>>, vector<16xf32>,
      %get3A_1674 = vector.shape_cast %get3A_1673 : vector<16xf32> to vector<16xf32>
      %get3A_1675 = arith.constant 112 : index
      %get3A_1676 = tpu.vector_load %arg12[%get3A_1675] {strides = array<i32>} : memref<256xf32, #tpu.memory_space<vmem>>, vector<16xf32>,
      %get3A_1677 = vector.shape_cast %get3A_1676 : vector<16xf32> to vector<16xf32>
      %sub3A_1678 = arith.subf %get3A_1677, %get3A_1674 : vector<16xf32>
      %max3A_1679 = arith.constant 0.000000e+00 : f32
      %max3A_1680 = vector.broadcast %max3A_1679 : f32 to vector<16xf32>
      %max3A_1681 = arith.maximumf %sub3A_1678, %max3A_1680 : vector<16xf32>
      %add3A_1682 = arith.addf %add3A_1671, %max3A_1681 : vector<16xf32>
      %get3A_1683 = arith.constant 128 : index
      %get3A_1684 = tpu.vector_load %arg12[%get3A_1683] {strides = array<i32>} : memref<256xf32, #tpu.memory_space<vmem>>, vector<16xf32>,
      %get3A_1685 = vector.shape_cast %get3A_1684 : vector<16xf32> to vector<16xf32>
      %get3A_1686 = arith.constant 144 : index
      %get3A_1687 = tpu.vector_load %arg12[%get3A_1686] {strides = array<i32>} : memref<256xf32, #tpu.memory_space<vmem>>, vector<16xf32>,
      %get3A_1688 = vector.shape_cast %get3A_1687 : vector<16xf32> to vector<16xf32>
      %sub3A_1689 = arith.subf %get3A_1688, %get3A_1685 : vector<16xf32>
      %max3A_1690 = arith.constant 0.000000e+00 : f32
      %max3A_1691 = vector.broadcast %max3A_1690 : f32 to vector<16xf32>
      %max3A_1692 = arith.maximumf %sub3A_1689, %max3A_1691 : vector<16xf32>
      %add3A_1693 = arith.addf %add3A_1682, %max3A_1692 : vector<16xf32>
      %get3A_1694 = arith.constant 160 : index
      %get3A_1695 = tpu.vector_load %arg12[%get3A_1694] {strides = array<i32>} : memref<256xf32, #tpu.memory_space<vmem>>, vector<16xf32>,
      %get3A_1696 = vector.shape_cast %get3A_1695 : vector<16xf32> to vector<16xf32>
      %get3A_1697 = arith.constant 176 : index
      %get3A_1698 = tpu.vector_load %arg12[%get3A_1697] {strides = array<i32>} : memref<256xf32, #tpu.memory_space<vmem>>, vector<16xf32>,
      %get3A_1699 = vector.shape_cast %get3A_1698 : vector<16xf32> to vector<16xf32>
      %sub3A_1700 = arith.subf %get3A_1699, %get3A_1696 : vector<16xf32>
      %max3A_1701 = arith.constant 0.000000e+00 : f32
      %max3A_1702 = vector.broadcast %max3A_1701 : f32 to vector<16xf32>
      %max3A_1703 = arith.maximumf %sub3A_1700, %max3A_1702 : vector<16xf32>
      %add3A_1704 = arith.addf %add3A_1693, %max3A_1703 : vector<16xf32>
      %get3A_1705 = arith.constant 192 : index
      %get3A_1706 = tpu.vector_load %arg12[%get3A_1705] {strides = array<i32>} : memref<256xf32, #tpu.memory_space<vmem>>, vector<16xf32>,
      %get3A_1707 = vector.shape_cast %get3A_1706 : vector<16xf32> to vector<16xf32>
      %get3A_1708 = arith.constant 208 : index
      %get3A_1709 = tpu.vector_load %arg12[%get3A_1708] {strides = array<i32>} : memref<256xf32, #tpu.memory_space<vmem>>, vector<16xf32>,
      %get3A_1710 = vector.shape_cast %get3A_1709 : vector<16xf32> to vector<16xf32>
      %sub3A_1711 = arith.subf %get3A_1710, %get3A_1707 : vector<16xf32>
      %max3A_1712 = arith.constant 0.000000e+00 : f32
      %max3A_1713 = vector.broadcast %max3A_1712 : f32 to vector<16xf32>
      %max3A_1714 = arith.maximumf %sub3A_1711, %max3A_1713 : vector<16xf32>
      %add3A_1715 = arith.addf %add3A_1704, %max3A_1714 : vector<16xf32>
      %get3A_1716 = arith.constant 224 : index
      %get3A_1717 = tpu.vector_load %arg12[%get3A_1716] {strides = array<i32>} : memref<256xf32, #tpu.memory_space<vmem>>, vector<16xf32>,
      %get3A_1718 = vector.shape_cast %get3A_1717 : vector<16xf32> to vector<16xf32>
      %get3A_1719 = arith.constant 240 : index
      %get3A_1720 = tpu.vector_load %arg12[%get3A_1719] {strides = array<i32>} : memref<256xf32, #tpu.memory_space<vmem>>, vector<16xf32>,
      %get3A_1721 = vector.shape_cast %get3A_1720 : vector<16xf32> to vector<16xf32>
      %sub3A_1722 = arith.subf %get3A_1721, %get3A_1718 : vector<16xf32>
      %max3A_1723 = arith.constant 0.000000e+00 : f32
      %max3A_1724 = vector.broadcast %max3A_1723 : f32 to vector<16xf32>
      %max3A_1725 = arith.maximumf %sub3A_1722, %max3A_1724 : vector<16xf32>
      %add3A_1726 = arith.addf %add3A_1715, %max3A_1725 : vector<16xf32>
      %swap3A_1727 = arith.constant 0 : index
      %swap3A_1728 = tpu.vector_load %arg11[%swap3A_1727] {strides = array<i32>} : memref<16xf32, #tpu.memory_space<vmem>>, vector<16xf32>,
      %swap3A_1729 = vector.shape_cast %swap3A_1728 : vector<16xf32> to vector<16xf32>
      %swap3A_1730 = vector.shape_cast %add3A_1726 : vector<16xf32> to vector<16xf32>
      tpu.vector_store %arg11[%swap3A_1727], %swap3A_1730 {strides = array<i32>} : memref<16xf32, #tpu.memory_space<vmem>>, vector<16xf32>,
      %mul3A_1731 = arith.constant 16 : i32
      %mul3A_1732 = arith.muli %arg0, %mul3A_1731 : i32
      "tpu.region"() ({
        %run_scoped3A = tpu.sem_alloc : memref<!tpu.dma_semaphore, #tpu.memory_space<semaphore_mem>>
        %dma_start3A_1733 = tpu.memref_slice %arg5[%mul3A_1732] : memref<32xf32, #tpu.memory_space<hbm>> -> memref<16xf32, #tpu.memory_space<hbm>>
        %dma_start3A_1734 = tpu.memref_slice %arg5[%mul3A_1732] : memref<32xf32, #tpu.memory_space<hbm>> -> memref<16xf32, #tpu.memory_space<hbm>>
        tpu.enqueue_dma source(%arg11 : memref<16xf32, #tpu.memory_space<vmem>>) target(%dma_start3A_1734 : memref<16xf32, #tpu.memory_space<hbm>>) target_semaphore(%run_scoped3A : memref<!tpu.dma_semaphore, #tpu.memory_space<semaphore_mem>>)
        %dma_wait3A_1735 = tpu.memref_slice %arg5[%mul3A_1732] : memref<32xf32, #tpu.memory_space<hbm>> -> memref<16xf32, #tpu.memory_space<hbm>>
        %dma_wait3A_1736 = tpu.memref_slice %arg5[%mul3A_1732] : memref<32xf32, #tpu.memory_space<hbm>> -> memref<16xf32, #tpu.memory_space<hbm>>
        tpu.wait_dma2 semaphore(%run_scoped3A : memref<!tpu.dma_semaphore, #tpu.memory_space<semaphore_mem>>) src(%arg11 : memref<16xf32, #tpu.memory_space<vmem>>) dst(%dma_wait3A_1736 : memref<16xf32, #tpu.memory_space<hbm>>)
        tpu.yield
      }) : () -> ()
    } else {
    }
    return
  }
}

</mosaic_0001>

<sc_bundles>
// kernel: kernel.3.cloned.1.call-start
scs
__scs_entry_jumppad:
0x0: {  	(pc) =	sbr.rel $0x88, $3  }
0x1: {  	(tag) =	ssettag $0x0;
	lr =	simm.s32 $0x1  }
0x2: {  	[smem:$0x3F9D] =	sst lr;
	_ =	strace $0xD0000000  }
0x3: {  	_ = 	snop  }
0x4: {  	_ = 	snop  }
0x5: {  	_ = 	snop  }
0x6: {  	_ = 	snop  }
0x7: {  	_ = 	snop  }
__scs_overlays_trampoline_lowered:
0x8: {  	[smem:$0x3FAC] =	sst s0  }
0x9: {  	[smem:$0x3FAD] =	sst s1  }
0xa: {  	[smem:$0x3FAE] =	sst s2  }
0xb: {  	[smem:$0x3FAF] =	sst s3  }
0xc: {  	[smem:$0x3FB0] =	sst s4  }
0xd: {  	[smem:$0x3FB1] =	sst s5  }
0xe: {  	[smem:$0x3FB2] =	sst s6  }
0xf: {  	[smem:$0x3FB3] =	sst s7  }
0x10: {  	[smem:$0x3FB4] =	sst s8  }
0x11: {  	[smem:$0x3FB5] =	sst s9;
	s0 =	simm.s32 @!p0 $0x0  }
0x12: {  	s1 =	sld [smem:$0x3F9B];
	s0 =	simm.s32 @p0 $0x1  }
0x13: {  	[smem:$0x3FB6] =	sst s0;
	s0 =	simm.s32 @!p1 $0x0  }
0x14: {  	s2 =	sld [smem:$0x3F9A];
	s0 =	simm.s32 @p1 $0x1  }
0x15: {  	[smem:$0x3FB7] =	sst s0;
	s0 =	simm.s32 @!p2 $0x0  }
0x16: {  	s3 =	sld [smem:$0x3FDB];
	s0 =	simm.s32 @p2 $0x1  }
0x17: {  	s4 =	simm.s32 $0x1BF5;
	[smem:$0x3FB9] =	sst s0  }
0x18: {  	s0 =	sld [smem:$0x3F9C];
	_ =	swait.ge [sflag:s4], $0x0  }
0x19: {  	s7 =	sld [smem:$0x3F9D]  }
0x1a: {  	s8 =	sadd.s32 $0xFFFFE003, lr  }
0x1b: {  	s9 =	sadd.s32 $0xFFFFFEF7, lr;
	s5 =	simm.s32 $0xFFFFFFFF;
	p2 =	slt.u32 s8, $0xFFFFF086  }
0x1c: {  	p1 =	slt.u32 s9, $0xF7A;
	s5 =	simm.s32 @!p2 $0x0  }
0x1d: {  	s5 =	simm.s32 @p1 $0x1;
	p0 =	seq.s32 s7, s2  }
0x1e: {  	s7 =	smul.u32 @!p0 $0xF7A, s2;
	p2 =	seq.s32 @!p0 s5, $0x0  }
0x1f: {  	s9 =	smul.u32 $0xF7A, s1;
	s8 =	simm.s32 @!p0 $0x1BF5;
	p2 =	por !p2, p0  }
0x20: {  	[sflag:s8] =	ssyncset.s32 @!p0 $0xFFFFF086;
	s6 =	sadd.s32 @!p0 s3, s7;
	s7 =	simm.s32 @!p0 $0x108  }
0x21: {  	s3 =	sadd.s32 s3, s9;
	s6 =	sadd.s32 @!p0 $0x88, s6;
	s7 =	simm.s32 @p2 $0x1082  }
0x22: {  	[simem:s7], [sflag:s8] =	dma.local @!p0 [hbm:s6], $0xF7A  }
0x23: {  	s9 =	sor.u32 $0xD0000000, s2;
	s6 =	simm.s32 $0x108;
	_ =	swait.ge @!p0 [sflag:s8], $0x0  }
0x24: {  	s3 =	sadd.s32 $0x88, s3;
	s6 =	simm.s32 @!p1 $0x1082;
	[sflag:s4] =	ssyncset.s32 $0xFFFFF086  }
0x25: {  	[simem:s6], [sflag:s4] =	dma.local [hbm:s3], $0xF7A  }
0x26: {  	[smem:$0x3F9D] =	sst s1;
	(tag) =	ssettag s2;
	_ =	strace s9  }
0x27: {  	s1 =	sld [smem:$0x3FAD]  }
0x28: {  	s2 =	sld [smem:$0x3FAE]  }
0x29: {  	s4 =	sld [smem:$0x3FB0]  }
0x2a: {  	p0 =	seq.s32 s5, $0x0;
	s5 =	sld [smem:$0x3FB1]  }
0x2b: {  	s6 =	sld [smem:$0x3FB2]  }
0x2c: {  	s7 =	sld [smem:$0x3FB3]  }
0x2d: {  	s3 =	simm.s32 $0x108;
	s8 =	sld [smem:$0x3FB4]  }
0x2e: {  	s3 =	simm.s32 @!p0 $0x1082;
	s9 =	sld [smem:$0x3FB5]  }
0x2f: {  	lr =	sadd.s32 s0, s3;
	s0 =	sld [smem:$0x3FAC]  }
0x30: {  	s3 =	sld [smem:$0x3FAF]  }
0x31: {  	[smem:$0x3FB8] =	sst s10  }
0x32: {  	s10 =	sld [smem:$0x3FB6];
	_ =	sdelay $0x3  }
0x33: {  	p0 =	seq.s32 s10, $0x1;
	s10 =	sld [smem:$0x3FB8];
	_ =	sdelay $0x3  }
0x34: {  	[smem:$0x3FB8] =	sst s10  }
0x35: {  	s10 =	sld [smem:$0x3FB7];
	_ =	sdelay $0x3  }
0x36: {  	p1 =	seq.s32 s10, $0x1;
	s10 =	sld [smem:$0x3FB8];
	_ =	sdelay $0x3  }
0x37: {  	[smem:$0x3FB8] =	sst s10  }
0x38: {  	s10 =	sld [smem:$0x3FB9]  }
0x39: {  	_ = 	snop;
	(pc) =	sbr.ind lr, $3  }
0x3a: {  	_ = 	snop  }
0x3b: {  	_ = 	snop  }
0x3c: {  	p2 =	seq.s32 s10, $0x1;
	s10 =	sld [smem:$0x3FB8]  }
0x3d: {  	_ =	shalt  }
0x3e: {  	_ =	shalt  }
0x3f: {  	_ =	shalt  }
0x40: {  	_ =	shalt  }
0x41: {  	_ =	shalt  }
0x42: {  	_ =	shalt  }
0x43: {  	_ =	shalt  }
0x44: {  	_ =	shalt  }
0x45: {  	_ =	shalt  }
0x46: {  	_ =	shalt  }
0x47: {  	_ =	shalt  }
0x48: {  	_ =	shalt  }
0x49: {  	_ =	shalt  }
0x4a: {  	_ =	shalt  }
0x4b: {  	_ =	shalt  }
0x4c: {  	_ =	shalt  }
0x4d: {  	_ =	shalt  }
0x4e: {  	_ =	shalt  }
0x4f: {  	_ =	shalt  }
0x50: {  	_ =	shalt  }
0x51: {  	_ =	shalt  }
0x52: {  	_ =	shalt  }
0x53: {  	_ =	shalt  }
0x54: {  	_ =	shalt  }
0x55: {  	_ =	shalt  }
0x56: {  	_ =	shalt  }
0x57: {  	_ =	shalt  }
0x58: {  	_ =	shalt  }
0x59: {  	_ =	shalt  }
0x5a: {  	_ =	shalt  }
0x5b: {  	_ =	shalt  }
0x5c: {  	_ =	shalt  }
0x5d: {  	_ =	shalt  }
0x5e: {  	_ =	shalt  }
0x5f: {  	_ =	shalt  }
0x60: {  	_ =	shalt  }
0x61: {  	_ =	shalt  }
0x62: {  	_ =	shalt  }
0x63: {  	_ =	shalt  }
0x64: {  	_ =	shalt  }
0x65: {  	_ =	shalt  }
0x66: {  	_ =	shalt  }
0x67: {  	_ =	shalt  }
0x68: {  	_ =	shalt  }
0x69: {  	_ =	shalt  }
0x6a: {  	_ =	shalt  }
0x6b: {  	_ =	shalt  }
0x6c: {  	_ =	shalt  }
0x6d: {  	_ =	shalt  }
0x6e: {  	_ =	shalt  }
0x6f: {  	_ =	shalt  }
0x70: {  	_ =	shalt  }
0x71: {  	_ =	shalt  }
0x72: {  	_ =	shalt  }
0x73: {  	_ =	shalt  }
0x74: {  	_ =	shalt  }
0x75: {  	_ =	shalt  }
0x76: {  	_ =	shalt  }
0x77: {  	_ =	shalt  }
0x78: {  	_ =	shalt  }
0x79: {  	_ =	shalt  }
0x7a: {  	_ =	shalt  }
0x7b: {  	_ =	shalt  }
0x7c: {  	_ =	shalt  }
0x7d: {  	_ =	shalt  }
0x7e: {  	_ =	shalt  }
0x7f: {  	_ =	shalt  }
0x80: {  	_ =	shalt  }
0x81: {  	_ =	shalt  }
0x82: {  	_ =	shalt  }
0x83: {  	_ =	shalt  }
0x84: {  	_ =	shalt  }
0x85: {  	_ =	shalt  }
0x86: {  	_ =	shalt  }
0x87: {  	_ =	shalt  }
.Lfunc_end0:
.L_simem_size_0:
called_computation_lowered:
.L_overlay_start_0:
0x88: {  	s2 =	sld [smem:$0x3FD9]  }
0x89: {  	s3 =	sld [smem:$0x3FFE];
	_ =	sdelay $0x1  }
0x8a: {  	s1 =	srdreg.scid  }
0x8b: {  	s0 =	sand.u32 $0x1, s1  }
0x8c: {  	s17 =	sshll.u32 s0, $0xA;
	s2 =	sadd.s32 s3, s2  }
0x8d: {  	s2 =	sadd.s32 s2, s17  }
0x8e: {  	[smem:$0x3FC4] =	sst s2  }
0x8f: {  	_ = 	snop  }
0x90: {  	s2 =	sld [smem:$0x3FC9]  }
0x91: {  	s18 =	sld [smem:$0x3FC8];
	(tm) =	ssettm $0x1  }
0x92: {  	s4 =	sld [smem:$0x3FFB];
	_ =	sdelay $0x3  }
0x93: {  	_ =	strace s4  }
0x94: {  	s4 =	sld [smem:$0x3FFC];
	_ =	sdelay $0x3  }
0x95: {  	_ =	strace s4  }
0x96: {  	s4 =	sld [smem:$0x3FFD];
	_ =	sdelay $0x3  }
0x97: {  	_ =	strace s4  }
0x98: {  	_ =	strace $0x8FFFFFFF  }
0x99: {  	s19 =	sld [smem:$0x3FDB];
	_ =	sdelay $0x1  }
0x9a: {  	s5 =	simm.s32 $_scs_section_size  }
0x9b: {  	s6 =	simm.s32 $_size__tile_overlayer_lowered;
	s7 =	simm.s32 $_tile_overlayer_lowered  }
0x9c: {  	s22 =	simm.s32 $0x1BFF;
	s21 =	sshll.u32 s7, $0x1;
	s4 =	sadd.s32 s5, s19  }
0x9d: {  	s8 =	simm.s32 $0x0;
	s20 =	sshll.u32 s6, $0x1;
	s6 =	sadd.s32 s21, s4  }
0x9e: {  	[timem:s8], [sflag:s22] =	dma.local [hbm:s6], s20  }
0x9f: {  	_ =	swait.ge [sflag:s22], s20  }
0xa0: {  	s5 =	ssub.s32 $0x0, s20;
	[sflag:s22] =	ssyncset.done $0x0  }
0xa1: {  	[sflag:s22] =	ssyncadd.s32 s5;
	_ =	sdelay $0x1  }
0xa2: {  	s23 =	simm.s32 $0x1B8B  }
0xa3: {  	_ =	swait.ge [sflag:s23], $0x1  }
0xa4: {  	[sflag:s23] =	ssyncset.done $0x0  }
0xa5: {  	s25 =	simm.s32 $0x1B8E;
	s24 =	sld [smem:$0x3FFE];
	[sflag:s23] =	ssyncadd.s32 $0xFFFFFFFF  }
0xa6: {  	s26 =	simm.s32 $execute0_lowered;
	[smem:$0x3FD2] =	sst s25  }
0xa7: {  	s6 =	sshll.u32 s26, $0x1;
	_ =	strace $0x80000046;
	[dreg:$0x1] =	wrdreg $0xFFFFFFFF  }
0xa8: {  	s28 =	simm.s32 $_size_execute0_lowered;
	s4 =	sadd.s32 s4, s6;
	[dreg:$0x0] =	wrdreg $0x0  }
0xa9: {  	s6 =	sshll.u32 s28, $0x1;
	[dreg:$0x2] =	wrdreg s4  }
0xaa: {  	[dreg:$0x3] =	wrdreg s6  }
0xab: {  	[dreg:$0x4] =	wrdreg $0xC0  }
0xac: {  	_ =	task [dreg:s8], $0x5FFFF  }
0xad: {  	[dreg:$0x1] =	wrdreg $0xFFFFFFFF  }
0xae: {  	[dreg:$0x0] =	wrdreg $0x60  }
0xaf: {  	[dreg:$0x2] =	wrdreg s24  }
0xb0: {  	[dreg:$0x3] =	wrdreg s2  }
0xb1: {  	[dreg:$0x4] =	wrdreg s18  }
0xb2: {  	[dreg:$0x5] =	wrdreg $0xC000  }
0xb3: {  	[dreg:$0x6] =	wrdreg $0x9  }
0xb4: {  	_ =	task.clear_ibuf [dreg:s8], $0x7FFFF;
	_ =	strace $0x90000046  }
0xb5: {  	s29 =	simm.s32 $0x9;
	_ =	strace $0x80000048  }
0xb6: {  	_ =	swait.ge [sflag:s29], $0x1  }
0xb7: {  	[sflag:s29] =	ssyncadd.s32 $0xFFFFFFFF  }
0xb8: {  	_ =	strace $0x90000048  }
0xb9: {  	_ =	sfence  }
0xba: {  	s30 =	sld [smem:$0x0];
	_ =	sdelay $0x2  }
0xbb: {  	s31 =	sshll.u32 s1, $0xD;
	s1 =	sshrl.u32 s1, $0x2  }
0xbc: {  	s3 =	sand.u32 $0x4000, s31;
	s1 =	sadd.s32 s1, s30  }
0xbd: {  	s0 =	sor.u32 s3, s0;
	s1 =	sshll.u32 s1, $0x11  }
0xbe: {  	s0 =	sor.u32 s1, s0  }
0xbf: {  	s0 =	sadd.s32 $0x8F2B, s0  }
0xc0: {  	[sflag:s0] =	ssyncadd.remote.s32 $0x1  }
0xc1: {  	_ =	sfence.sel $0xFFFF  }
0xc2: {  	[dreg:$0x0] =	wrdreg $0xFFFFFFFF;
	(pc) =	sbr.abs _section_cstart, $3  }
0xc3: {  	[dreg:$0x1] =	wrdreg $0xFFFFFFFF  }
0xc4: {  	_ =	task.clear_ibuf [dreg:s8], $0x2FFFF;
	_ =	strace $0x9FFFFFFF  }
0xc5: {  	(tm) =	ssettm $0x7FFFFFFF  }
tec
execute0_lowered:
.L_overlay_start_1:
0x0: {  	(tag) =	ssettag $0x1  }
0x1: {  	s7 =	rddreg [dreg:$0x0]  }
0x2: {  	s0 =	rddreg [dreg:$0x1]  }
0x3: {  	s2 =	srdreg.scid;
	s1 =	rddreg [dreg:$0x2]  }
0x4: {  	s6 =	stileid.u32;
	s3 =	rddreg [dreg:$0x3];
	s5 =	sand.u32 $0x1, s2  }
0x5: {  	v0 =	vlaneseq.u32;
	s9 =	sshll.u32 s6, $0x4;
	s4 =	sshrl.u32 s6, $0x1;
	s2 =	sshll.u32 s5, $0x3  }
0x6: {  	v30 =	vmul.u32 $0x80, v0;
	s10 =	sor.u32 s4, s2;
	s2 =	rddreg [dreg:$0x4];
	s4 =	simm.s32 $0x0  }
0x7: {  	s8 =	sand.u32 $0x10, s9;
	s9 =	sadd.s32 s9, s3;
	[smem:$0x7FF] =	sst s4  }
0x8: {  	s13 =	simm.s32 $0x280;
	v2 =	vor.u32 $0x800, v30;
	v3 =	vor.u32 $0x1000, v30;
	v4 =	vor.u32 $0x1800, v30;
	_ =	strace $0x80000047;
	[dreg:$0x6] =	wrdreg s9  }
0x9: {  	s14 =	simm.s32 $0x680;
	v5 =	vor.u32 $0x2000, v30;
	v6 =	vor.u32 $0x2800, v30;
	v7 =	vor.u32 $0x3000, v30;
	[dreg:$0x9] =	wrdreg s13  }
0xa: {  	s15 =	simm.s32 $0x480;
	v8 =	vor.u32 $0x3800, v30;
	v9 =	vor.u32 $0x4000, v30;
	v10 =	vor.u32 $0x4800, v30;
	[dreg:$0xa] =	wrdreg s14  }
0xb: {  	s16 =	simm.s32 $0x880;
	v11 =	vor.u32 $0x5000, v30;
	v12 =	vor.u32 $0x5800, v30;
	v13 =	vor.u32 $0x6000, v30;
	[dreg:$0xb] =	wrdreg s15  }
0xc: {  	s17 =	simm.s32 $0x300;
	v14 =	vor.u32 $0x6800, v30;
	v15 =	vor.u32 $0x7000, v30;
	v16 =	vor.u32 $0x7800, v30;
	[dreg:$0xc] =	wrdreg s16  }
0xd: {  	s18 =	simm.s32 $0x700;
	v17 =	vor.u32 $0x8000, v30;
	v18 =	vor.u32 $0x8800, v30;
	v19 =	vor.u32 $0x9000, v30;
	[dreg:$0xd] =	wrdreg s17  }
0xe: {  	s19 =	simm.s32 $0x500;
	v20 =	vor.u32 $0x9800, v30;
	v21 =	vor.u32 $0xA000, v30;
	v22 =	vor.u32 $0xA800, v30;
	[dreg:$0xe] =	wrdreg s18  }
0xf: {  	s20 =	simm.s32 $0x900;
	s21 =	simm.s32 $0x380;
	v23 =	vor.u32 $0xB000, v30;
	v24 =	vor.u32 $0xB800, v30;
	v25 =	vor.u32 $0xC000, v30;
	[dreg:$0xf] =	wrdreg s19  }
0x10: {  	s22 =	simm.s32 $0x780;
	s23 =	simm.s32 $0x580;
	v26 =	vor.u32 $0xC800, v30;
	v27 =	vor.u32 $0xD000, v30;
	v28 =	vor.u32 $0xD800, v30;
	[dreg:$0x10] =	wrdreg s20  }
0x11: {  	v29 =	vor.u32 $0xE000, v30;
	v31 =	vor.u32 $0xE800, v30;
	v32 =	vor.u32 $0xF000, v30;
	s8 =	sor.u32 s10, s8;
	s10 =	sshll.u32 s10, $0x10;
	[dreg:$0x11] =	wrdreg s21  }
0x12: {  	s25 =	simm.s32 $0x980;
	s26 =	simm.s32 $0x400;
	v33 =	vor.u32 $0xF800, v30;
	v1 =	vor.u32 s10, v30;
	v2 =	vor.u32 s10, v2;
	[dreg:$0x12] =	wrdreg s22  }
0x13: {  	s28 =	simm.s32 $0x800;
	s29 =	simm.s32 $0x600;
	v3 =	vor.u32 s10, v3;
	v4 =	vor.u32 s10, v4;
	v5 =	vor.u32 s10, v5;
	[dreg:$0x13] =	wrdreg s23  }
0x14: {  	s30 =	simm.s32 $0xA00;
	s31 =	simm.s32 $0xA80;
	v6 =	vor.u32 s10, v6;
	v7 =	vor.u32 s10, v7;
	v8 =	vor.u32 s10, v8;
	[dreg:$0x14] =	wrdreg s25  }
0x15: {  	p0 =	sne.s32 s6, $0x0;
	s6 =	simm.s32 $0x3;
	v9 =	vor.u32 s10, v9;
	v10 =	vor.u32 s10, v10;
	v11 =	vor.u32 s10, v11;
	[dreg:$0x15] =	wrdreg s26  }
0x16: {  	s11 =	sshll.u32 s5, $0x1;
	s5 =	ssub.s32 $0x2, s5;
	v12 =	vor.u32 s10, v12;
	v13 =	vor.u32 s10, v13;
	v14 =	vor.u32 s10, v14;
	[dreg:$0x16] =	wrdreg s28  }
0x17: {  	s24 =	sshrl.u32 s5, $0x1;
	s8 =	sshll.u32 s8, $0x6;
	v15 =	vor.u32 s10, v15;
	v16 =	vor.u32 s10, v16;
	v17 =	vor.u32 s10, v17;
	[dreg:$0x17] =	wrdreg s29  }
0x18: {  	s5 =	ssub.s32 s5, s24;
	v18 =	vor.u32 s10, v18;
	v19 =	vor.u32 s10, v19;
	v20 =	vor.u32 s10, v20;
	[dreg:$0x18] =	wrdreg s30;
	s8 =	sadd.s32 s8, s7  }
0x19: {  	v21 =	vor.u32 s10, v21;
	v22 =	vor.u32 s10, v22;
	v23 =	vor.u32 s10, v23;
	[dreg:$0x19] =	wrdreg s31;
	s7 =	sadd.s32 s11, s7;
	s12 =	sadd.s32 $0x600, s8  }
0x1a: {  	v24 =	vor.u32 s10, v24;
	v25 =	vor.u32 s10, v25;
	v26 =	vor.u32 s10, v26;
	s5 =	smax.u32 s5, $0x1;
	s7 =	sadd.s32 $0xE00, s7;
	[dreg:$0x5] =	wrdreg s12  }
0x1b: {  	v27 =	vor.u32 s10, v27;
	v28 =	vor.u32 s10, v28;
	v29 =	vor.u32 s10, v29;
	s9 =	simm.s32 $0x2;
	[dreg:$0x7] =	wrdreg s7;
	s12 =	simm.s32 $0x8  }
0x1c: {  	v30 =	vor.u32 s10, v31;
	v31 =	vor.u32 s10, v32;
	v32 =	vor.u32 s10, v33;
	s8 =	simm.s32 $0x1;
	s7 =	simm.s32 $0x80;
	[dreg:$0x8] =	wrdreg s12  }
.LBB2_1:
0x1d: {  	s10 =	rddreg [dreg:$0x5]  }
0x1e: {  	s11 =	rddreg [dreg:$0x8]  }
0x1f: {  	[tilespmem:s11], [sflag:$0x3] =	stream.linear.gather [hbm4b:s10+s4], $0x200, $0x38;
	[tilespmem:$0xC10] =	vst v63  }
0x20: {  	_ =	swait.ge [sflag:s6], $0x200  }
0x21: {  	[sflag:s6] =	ssyncset.done $0x0  }
0x22: {  	[sflag:s6] =	ssyncadd.s32 $0xFFFFFE00  }
0x23: {  	v33 =	vld [tilespmem:$0x7]  }
0x24: {  	v34 =	vld [tilespmem:$0x8]  }
0x25: {  	v35 =	vld [tilespmem:$0x18]  }
0x26: {  	v36 =	vld [tilespmem:$0x17]  }
0x27: {  	v37 =	vld [tilespmem:$0x28]  }
0x28: {  	v61 =	vld [tilespmem:$0x38]  }
0x29: {  	v40 =	vld [tilespmem:$0x48]  }
0x2a: {  	v46 =	vld [tilespmem:$0x58];
	v39 =	vadd.s32 v34, v1  }
0x2b: {  	v50 =	vld [tilespmem:$0x68];
	v63 =	vadd.s32 v35, v2;
	[tilespmem:$0x280] =	vst v39  }
0x2c: {  	v38 =	vld [tilespmem:$0x27];
	v44 =	vadd.s32 v37, v3;
	[tilespmem:$0x290] =	vst v63  }
0x2d: {  	v62 =	vld [tilespmem:$0x37];
	v48 =	vadd.s32 v61, v4;
	[tilespmem:$0x2A0] =	vst v44  }
0x2e: {  	v52 =	vadd.s32 v40, v5;
	[tilespmem:$0x2B0] =	vst v48  }
0x2f: {  	v53 =	vld [tilespmem:$0x78];
	v55 =	vadd.s32 v46, v6;
	[tilespmem:$0x2C0] =	vst v52  }
0x30: {  	v56 =	vld [tilespmem:$0x88];
	v36 =	vshll.u32 v36, $0x7;
	v58 =	vadd.s32 v50, v7;
	[tilespmem:$0x2D0] =	vst v55  }
0x31: {  	v47 =	vld [tilespmem:$0x57];
	v45 =	vshll.u32 v38, $0x7;
	v35 =	vadd.s32 v35, v36;
	[tilespmem:$0x2E0] =	vst v58  }
0x32: {  	v59 =	vld [tilespmem:$0x98];
	v33 =	vshll.u32 v33, $0x7;
	v49 =	vshll.u32 v62, $0x7;
	v36 =	vadd.s32 v37, v45;
	[tilespmem:$0x490] =	vst v35  }
0x33: {  	v51 =	vld [tilespmem:$0x67];
	v33 =	vadd.s32 v34, v33;
	v34 =	vadd.s32 v61, v49;
	[tilespmem:$0x4A0] =	vst v36  }
0x34: {  	v54 =	vld [tilespmem:$0x77];
	v61 =	vadd.s32 v53, v8;
	[tilespmem:$0x4B0] =	vst v34  }
0x35: {  	vm0 =	veq.s32 v0, $0x0;
	v43 =	vld [tilespmem:$0x47];
	v44 =	vadd.s32 v56, v9;
	[tilespmem:$0x2F0] =	vst v61  }
0x36: {  	v60 =	vld [tilespmem:$0x97];
	v33 =	vsel vm0, $0x0, v33;
	[tilespmem:$0x300] =	vst v44  }
0x37: {  	v57 =	vld [tilespmem:$0x87];
	v35 =	vshll.u32 v47, $0x7;
	v47 =	vadd.s32 v59, v10;
	[tilespmem:$0x480] =	vst v33  }
0x38: {  	v62 =	vld [tilespmem:$0xA8];
	v36 =	vshll.u32 v51, $0x7;
	v35 =	vadd.s32 v46, v35;
	[tilespmem:$0x310] =	vst v47  }
0x39: {  	v63 =	vld [tilespmem:$0xA7];
	v34 =	vshll.u32 v54, $0x7;
	v36 =	vadd.s32 v50, v36;
	[tilespmem:$0x4D0] =	vst v35  }
0x3a: {  	v45 =	vld [tilespmem:$0xB8];
	v33 =	vshll.u32 v43, $0x7;
	v34 =	vadd.s32 v53, v34;
	[tilespmem:$0x4E0] =	vst v36  }
0x3b: {  	v48 =	vld [tilespmem:$0xC8];
	v33 =	vadd.s32 v40, v33;
	[tilespmem:$0x4F0] =	vst v34;
	v35 =	vshll.u32 v60, $0x7  }
0x3c: {  	v52 =	vld [tilespmem:$0xD7];
	[tilespmem:$0x4C0] =	vst v33;
	v35 =	vadd.s32 v59, v35  }
0x3d: {  	v51 =	vld [tilespmem:$0xD8];
	v33 =	vshll.u32 v57, $0x7;
	v50 =	vadd.s32 v62, v11;
	[tilespmem:$0x510] =	vst v35  }
0x3e: {  	v49 =	vld [tilespmem:$0xC7];
	v33 =	vadd.s32 v56, v33;
	[tilespmem:$0x320] =	vst v50  }
0x3f: {  	v54 =	vld [tilespmem:$0xE8];
	v53 =	vadd.s32 v45, v12;
	[tilespmem:$0x500] =	vst v33  }
0x40: {  	v46 =	vld [tilespmem:$0xB7];
	v36 =	vshll.u32 v63, $0x7;
	v56 =	vadd.s32 v48, v13;
	[tilespmem:$0x330] =	vst v53  }
0x41: {  	v55 =	vld [tilespmem:$0xE7];
	v36 =	vadd.s32 v62, v36;
	[tilespmem:$0x340] =	vst v56  }
0x42: {  	v61 =	vld [tilespmem:$0x107];
	v35 =	vshll.u32 v52, $0x7;
	v59 =	vadd.s32 v51, v14;
	[tilespmem:$0x520] =	vst v36  }
0x43: {  	v60 =	vld [tilespmem:$0x108];
	v35 =	vadd.s32 v51, v35;
	[tilespmem:$0x350] =	vst v59  }
0x44: {  	v57 =	vld [tilespmem:$0xF8];
	v33 =	vshll.u32 v49, $0x7;
	v62 =	vadd.s32 v54, v15;
	[tilespmem:$0x550] =	vst v35  }
0x45: {  	v58 =	vld [tilespmem:$0xF7];
	v34 =	vshll.u32 v46, $0x7;
	v33 =	vadd.s32 v48, v33;
	[tilespmem:$0x360] =	vst v62  }
0x46: {  	v43 =	vld [tilespmem:$0x117];
	v36 =	vshll.u32 v55, $0x7;
	v34 =	vadd.s32 v45, v34;
	[tilespmem:$0x540] =	vst v33  }
0x47: {  	v63 =	vld [tilespmem:$0x118];
	v36 =	vadd.s32 v54, v36;
	[tilespmem:$0x530] =	vst v34  }
0x48: {  	v52 =	vld [tilespmem:$0x147];
	v47 =	vadd.s32 v60, v17;
	[tilespmem:$0x560] =	vst v36  }
0x49: {  	v51 =	vld [tilespmem:$0x148];
	v33 =	vshll.u32 v61, $0x7;
	v44 =	vadd.s32 v57, v16;
	[tilespmem:$0x380] =	vst v47  }
0x4a: {  	v49 =	vld [tilespmem:$0x137];
	v34 =	vshll.u32 v58, $0x7;
	v33 =	vadd.s32 v60, v33;
	[tilespmem:$0x370] =	vst v44  }
0x4b: {  	v48 =	vld [tilespmem:$0x138];
	v34 =	vadd.s32 v57, v34;
	[tilespmem:$0x580] =	vst v33  }
0x4c: {  	v46 =	vld [tilespmem:$0x127];
	v35 =	vshll.u32 v43, $0x7;
	v50 =	vadd.s32 v63, v18;
	[tilespmem:$0x570] =	vst v34  }
0x4d: {  	v45 =	vld [tilespmem:$0x128];
	v35 =	vadd.s32 v63, v35;
	[tilespmem:$0x390] =	vst v50  }
0x4e: {  	v55 =	vld [tilespmem:$0x157];
	v33 =	vshll.u32 v52, $0x7;
	[tilespmem:$0x590] =	vst v35;
	v59 =	vadd.s32 v51, v21  }
0x4f: {  	v54 =	vld [tilespmem:$0x158];
	v33 =	vadd.s32 v51, v33;
	[tilespmem:$0x3C0] =	vst v59  }
0x50: {  	v61 =	vld [tilespmem:$0x177];
	v34 =	vshll.u32 v49, $0x7;
	v56 =	vadd.s32 v48, v20;
	[tilespmem:$0x5C0] =	vst v33  }
0x51: {  	v60 =	vld [tilespmem:$0x178];
	v34 =	vadd.s32 v48, v34;
	[tilespmem:$0x3B0] =	vst v56  }
0x52: {  	v58 =	vld [tilespmem:$0x167];
	v36 =	vshll.u32 v46, $0x7;
	v53 =	vadd.s32 v45, v19;
	[tilespmem:$0x5B0] =	vst v34  }
0x53: {  	v57 =	vld [tilespmem:$0x168];
	v36 =	vadd.s32 v45, v36;
	[tilespmem:$0x3A0] =	vst v53  }
0x54: {  	v63 =	vld [tilespmem:$0x188];
	v35 =	vshll.u32 v55, $0x7;
	v62 =	vadd.s32 v54, v22;
	[tilespmem:$0x5A0] =	vst v36  }
0x55: {  	v44 =	vld [tilespmem:$0x187];
	v35 =	vadd.s32 v54, v35;
	[tilespmem:$0x3D0] =	vst v62  }
0x56: {  	v52 =	vld [tilespmem:$0x1B8];
	v34 =	vshll.u32 v61, $0x7;
	[tilespmem:$0x5D0] =	vst v35;
	v48 =	vadd.s32 v60, v24  }
0x57: {  	v47 =	vld [tilespmem:$0x197];
	v34 =	vadd.s32 v60, v34;
	[tilespmem:$0x3F0] =	vst v48  }
0x58: {  	v49 =	vld [tilespmem:$0x1A8];
	v36 =	vshll.u32 v58, $0x7;
	v45 =	vadd.s32 v57, v23;
	[tilespmem:$0x5F0] =	vst v34  }
0x59: {  	v46 =	vld [tilespmem:$0x198];
	v36 =	vadd.s32 v57, v36;
	[tilespmem:$0x3E0] =	vst v45  }
0x5a: {  	v50 =	vld [tilespmem:$0x1A7];
	v51 =	vadd.s32 v63, v25;
	[tilespmem:$0x5E0] =	vst v36  }
0x5b: {  	v41 =	vld [tilespmem:$0x1F8];
	v33 =	vshll.u32 v44, $0x7;
	v60 =	vadd.s32 v52, v28;
	[tilespmem:$0x400] =	vst v51  }
0x5c: {  	v55 =	vld [tilespmem:$0x1C8];
	v33 =	vadd.s32 v63, v33;
	[tilespmem:$0x430] =	vst v60  }
0x5d: {  	v56 =	vld [tilespmem:$0x1C7];
	v57 =	vadd.s32 v49, v27;
	[tilespmem:$0x600] =	vst v33  }
0x5e: {  	v61 =	vld [tilespmem:$0x1E8];
	v35 =	vshll.u32 v47, $0x7;
	v54 =	vadd.s32 v46, v26;
	[tilespmem:$0x420] =	vst v57  }
0x5f: {  	v59 =	vld [tilespmem:$0x1D7];
	v36 =	vshll.u32 v50, $0x7;
	v35 =	vadd.s32 v46, v35;
	[tilespmem:$0x410] =	vst v54  }
0x60: {  	v58 =	vld [tilespmem:$0x1D8];
	v36 =	vadd.s32 v49, v36;
	[tilespmem:$0x610] =	vst v35  }
0x61: {  	v53 =	vld [tilespmem:$0x1B7];
	v63 =	vadd.s32 v55, v29;
	[tilespmem:$0x620] =	vst v36  }
0x62: {  	s17 =	rddreg [dreg:$0x9];
	v62 =	vld [tilespmem:$0x1E7];
	v46 =	vadd.s32 v41, v32;
	[tilespmem:$0x440] =	vst v63  }
0x63: {  	s18 =	rddreg [dreg:$0xa];
	v42 =	vld [tilespmem:$0x1F7];
	v33 =	vshll.u32 v56, $0x7;
	v44 =	vadd.s32 v61, v31;
	[tilespmem:$0x470] =	vst v46  }
0x64: {  	s12 =	rddreg [dreg:$0xb];
	v33 =	vadd.s32 v55, v33;
	[tilespmem:$0x460] =	vst v44  }
0x65: {  	s13 =	rddreg [dreg:$0xc];
	v35 =	vshll.u32 v59, $0x7;
	v43 =	vadd.s32 v58, v30;
	[tilespmem:$0x640] =	vst v33  }
0x66: {  	s19 =	rddreg [dreg:$0xd];
	v34 =	vshll.u32 v53, $0x7;
	v35 =	vadd.s32 v58, v35;
	[tilespmem:$0x450] =	vst v43  }
0x67: {  	s20 =	rddreg [dreg:$0xe];
	v45 =	vshll.u32 v62, $0x7;
	v34 =	vadd.s32 v52, v34;
	[tilespmem:$0x650] =	vst v35  }
0x68: {  	s21 =	rddreg [dreg:$0xf];
	v35 =	vadd.s32 v61, v45;
	[tilespmem:$0x630] =	vst v34;
	v34 =	vshll.u32 v42, $0x7  }
0x69: {  	s22 =	rddreg [dreg:$0x10];
	[tilespmem:$0x660] =	vst v35;
	v34 =	vadd.s32 v41, v34  }
0x6a: {  	s23 =	rddreg [dreg:$0x11];
	[tilespmem:$0x670] =	vst v34  }
0x6b: {  	[tilespmem:s18], [sflag:$0x1] =	stream.indirect.gather [hbm4b:s0+s7], $0x1, s17, s7, $0xb8;
	[tilespmem:$0xC10] =	vst v63  }
0x6c: {  	s24 =	rddreg [dreg:$0x12]  }
0x6d: {  	[tilespmem:s13], [sflag:$0x2] =	stream.indirect.gather [hbm4b:s1+s7], $0x1, s12, s7, $0xb8;
	[tilespmem:$0xC10] =	vst v63  }
0x6e: {  	s25 =	rddreg [dreg:$0x13]  }
0x6f: {  	[tilespmem:s20], [sflag:$0x1] =	stream.indirect.gather [hbm4b:s0+s7], $0x1, s19, s7, $0xb8;
	[tilespmem:$0xC10] =	vst v63  }
0x70: {  	s26 =	rddreg [dreg:$0x14]  }
0x71: {  	[tilespmem:s22], [sflag:$0x2] =	stream.indirect.gather [hbm4b:s1+s7], $0x1, s21, s7, $0xb8;
	[tilespmem:$0xC10] =	vst v63  }
0x72: {  	s28 =	rddreg [dreg:$0x15]  }
0x73: {  	[tilespmem:s24], [sflag:$0x1] =	stream.indirect.gather [hbm4b:s0+s7], $0x1, s23, s7, $0xb8;
	[tilespmem:$0xC10] =	vst v63  }
0x74: {  	s29 =	rddreg [dreg:$0x16]  }
0x75: {  	[tilespmem:s26], [sflag:$0x2] =	stream.indirect.gather [hbm4b:s1+s7], $0x1, s25, s7, $0xb8;
	[tilespmem:$0xC10] =	vst v63  }
0x76: {  	s30 =	rddreg [dreg:$0x17]  }
0x77: {  	[tilespmem:s29], [sflag:$0x1] =	stream.indirect.gather [hbm4b:s0+s7], $0x1, s28, s7, $0xb8;
	[tilespmem:$0xC10] =	vst v63  }
0x78: {  	s31 =	rddreg [dreg:$0x18]  }
0x79: {  	[tilespmem:s31], [sflag:$0x2] =	stream.indirect.gather [hbm4b:s1+s7], $0x1, s30, s7, $0xb8;
	[tilespmem:$0xC10] =	vst v63  }
0x7a: {  	_ =	swait.ge [sflag:s8], $0x80  }
0x7b: {  	[sflag:s8] =	ssyncset.done $0x0  }
0x7c: {  	[sflag:s8] =	ssyncadd.s32 $0xFFFFFF80  }
0x7d: {  	_ =	swait.ge [sflag:s9], $0x80  }
0x7e: {  	[sflag:s9] =	ssyncset.done $0x0  }
0x7f: {  	[sflag:s9] =	ssyncadd.s32 $0xFFFFFF80  }
0x80: {  	_ =	swait.ge [sflag:s8], $0x80  }
0x81: {  	[sflag:s8] =	ssyncset.done $0x0  }
0x82: {  	[sflag:s8] =	ssyncadd.s32 $0xFFFFFF80  }
0x83: {  	_ =	swait.ge [sflag:s9], $0x80  }
0x84: {  	[sflag:s9] =	ssyncset.done $0x0  }
0x85: {  	[sflag:s9] =	ssyncadd.s32 $0xFFFFFF80  }
0x86: {  	_ =	swait.ge [sflag:s8], $0x80  }
0x87: {  	[sflag:s8] =	ssyncset.done $0x0  }
0x88: {  	[sflag:s8] =	ssyncadd.s32 $0xFFFFFF80  }
0x89: {  	_ =	swait.ge [sflag:s9], $0x80  }
0x8a: {  	[sflag:s9] =	ssyncset.done $0x0  }
0x8b: {  	[sflag:s9] =	ssyncadd.s32 $0xFFFFFF80  }
0x8c: {  	_ =	swait.ge [sflag:s8], $0x80  }
0x8d: {  	[sflag:s8] =	ssyncset.done $0x0  }
0x8e: {  	[sflag:s8] =	ssyncadd.s32 $0xFFFFFF80  }
0x8f: {  	_ =	swait.ge [sflag:s9], $0x80  }
0x90: {  	[sflag:s9] =	ssyncset.done $0x0  }
0x91: {  	[sflag:s9] =	ssyncadd.s32 $0xFFFFFF80  }
0x92: {  	v47 =	vld [tilespmem:$0x680]  }
0x93: {  	v48 =	vld [tilespmem:$0x880];
	_ =	sdelay $0x2  }
0x94: {  	v49 =	vld [tilespmem:$0x690]  }
0x95: {  	v33 =	vadd.f32 $0.0e+00, v47  }
0x96: {  	v50 =	vld [tilespmem:$0x890];
	v34 =	vsel vm0, $0x0, v48  }
0x97: {  	v33 =	vadd.f32 v34, v33  }
0x98: {  	v51 =	vld [tilespmem:$0x6A0]  }
0x99: {  	v33 =	vadd.f32 v33, v49  }
0x9a: {  	v52 =	vld [tilespmem:$0x8A0]  }
0x9b: {  	v33 =	vadd.f32 v33, v50  }
0x9c: {  	v53 =	vld [tilespmem:$0x6B0]  }
0x9d: {  	v33 =	vadd.f32 v33, v51  }
0x9e: {  	v54 =	vld [tilespmem:$0x8B0]  }
0x9f: {  	v33 =	vadd.f32 v33, v52  }
0xa0: {  	v55 =	vld [tilespmem:$0x6C0]  }
0xa1: {  	v33 =	vadd.f32 v33, v53  }
0xa2: {  	v56 =	vld [tilespmem:$0x8C0]  }
0xa3: {  	v33 =	vadd.f32 v33, v54  }
0xa4: {  	v57 =	vld [tilespmem:$0x6D0]  }
0xa5: {  	v33 =	vadd.f32 v33, v55  }
0xa6: {  	v58 =	vld [tilespmem:$0x8D0]  }
0xa7: {  	v33 =	vadd.f32 v33, v56  }
0xa8: {  	v59 =	vld [tilespmem:$0x6E0]  }
0xa9: {  	v33 =	vadd.f32 v33, v57  }
0xaa: {  	v60 =	vld [tilespmem:$0x8E0]  }
0xab: {  	v33 =	vadd.f32 v33, v58  }
0xac: {  	v61 =	vld [tilespmem:$0x6F0]  }
0xad: {  	v33 =	vadd.f32 v33, v59  }
0xae: {  	v62 =	vld [tilespmem:$0x8F0]  }
0xaf: {  	v33 =	vadd.f32 v33, v60  }
0xb0: {  	v63 =	vld [tilespmem:$0x700]  }
0xb1: {  	v33 =	vadd.f32 v33, v61  }
0xb2: {  	v40 =	vld [tilespmem:$0x900]  }
0xb3: {  	v33 =	vadd.f32 v33, v62  }
0xb4: {  	v41 =	vld [tilespmem:$0x710]  }
0xb5: {  	v33 =	vadd.f32 v33, v63  }
0xb6: {  	v42 =	vld [tilespmem:$0x910]  }
0xb7: {  	v33 =	vadd.f32 v33, v40  }
0xb8: {  	v43 =	vld [tilespmem:$0x720]  }
0xb9: {  	v33 =	vadd.f32 v33, v41  }
0xba: {  	v44 =	vld [tilespmem:$0x920]  }
0xbb: {  	v33 =	vadd.f32 v33, v42  }
0xbc: {  	v45 =	vld [tilespmem:$0x730]  }
0xbd: {  	v33 =	vadd.f32 v33, v43  }
0xbe: {  	v46 =	vld [tilespmem:$0x930]  }
0xbf: {  	v33 =	vadd.f32 v33, v44  }
0xc0: {  	v47 =	vld [tilespmem:$0x740]  }
0xc1: {  	v33 =	vadd.f32 v33, v45  }
0xc2: {  	v48 =	vld [tilespmem:$0x940]  }
0xc3: {  	v33 =	vadd.f32 v33, v46  }
0xc4: {  	v49 =	vld [tilespmem:$0x750]  }
0xc5: {  	v33 =	vadd.f32 v33, v47  }
0xc6: {  	v50 =	vld [tilespmem:$0x950]  }
0xc7: {  	v33 =	vadd.f32 v33, v48  }
0xc8: {  	v51 =	vld [tilespmem:$0x760]  }
0xc9: {  	v33 =	vadd.f32 v33, v49  }
0xca: {  	v52 =	vld [tilespmem:$0x960]  }
0xcb: {  	v33 =	vadd.f32 v33, v50  }
0xcc: {  	v53 =	vld [tilespmem:$0x770]  }
0xcd: {  	v33 =	vadd.f32 v33, v51  }
0xce: {  	v54 =	vld [tilespmem:$0x970]  }
0xcf: {  	v33 =	vadd.f32 v33, v52  }
0xd0: {  	v55 =	vld [tilespmem:$0x780]  }
0xd1: {  	v33 =	vadd.f32 v33, v53  }
0xd2: {  	v56 =	vld [tilespmem:$0x980]  }
0xd3: {  	v33 =	vadd.f32 v33, v54  }
0xd4: {  	v57 =	vld [tilespmem:$0x790]  }
0xd5: {  	v33 =	vadd.f32 v33, v55  }
0xd6: {  	v58 =	vld [tilespmem:$0x990]  }
0xd7: {  	v33 =	vadd.f32 v33, v56  }
0xd8: {  	v59 =	vld [tilespmem:$0x7A0]  }
0xd9: {  	v33 =	vadd.f32 v33, v57  }
0xda: {  	v60 =	vld [tilespmem:$0x9A0]  }
0xdb: {  	v33 =	vadd.f32 v33, v58  }
0xdc: {  	v61 =	vld [tilespmem:$0x7B0]  }
0xdd: {  	v33 =	vadd.f32 v33, v59  }
0xde: {  	v62 =	vld [tilespmem:$0x9B0]  }
0xdf: {  	v33 =	vadd.f32 v33, v60  }
0xe0: {  	v63 =	vld [tilespmem:$0x7C0]  }
0xe1: {  	v33 =	vadd.f32 v33, v61  }
0xe2: {  	v40 =	vld [tilespmem:$0x9C0]  }
0xe3: {  	v33 =	vadd.f32 v33, v62  }
0xe4: {  	v41 =	vld [tilespmem:$0x7D0]  }
0xe5: {  	v33 =	vadd.f32 v33, v63  }
0xe6: {  	v42 =	vld [tilespmem:$0x9D0]  }
0xe7: {  	v33 =	vadd.f32 v33, v40  }
0xe8: {  	v43 =	vld [tilespmem:$0x7E0]  }
0xe9: {  	v33 =	vadd.f32 v33, v41  }
0xea: {  	v44 =	vld [tilespmem:$0x9E0]  }
0xeb: {  	v33 =	vadd.f32 v33, v42  }
0xec: {  	v45 =	vld [tilespmem:$0x7F0]  }
0xed: {  	v33 =	vadd.f32 v33, v43  }
0xee: {  	v46 =	vld [tilespmem:$0x9F0]  }
0xef: {  	v33 =	vadd.f32 v33, v44  }
0xf0: {  	v47 =	vld [tilespmem:$0x800]  }
0xf1: {  	v33 =	vadd.f32 v33, v45  }
0xf2: {  	v48 =	vld [tilespmem:$0xA00]  }
0xf3: {  	v33 =	vadd.f32 v33, v46  }
0xf4: {  	v49 =	vld [tilespmem:$0x810]  }
0xf5: {  	v33 =	vadd.f32 v33, v47  }
0xf6: {  	v50 =	vld [tilespmem:$0xA10]  }
0xf7: {  	v33 =	vadd.f32 v33, v48  }
0xf8: {  	v51 =	vld [tilespmem:$0x820]  }
0xf9: {  	v33 =	vadd.f32 v33, v49  }
0xfa: {  	v52 =	vld [tilespmem:$0xA20]  }
0xfb: {  	v33 =	vadd.f32 v33, v50  }
0xfc: {  	v53 =	vld [tilespmem:$0x830]  }
0xfd: {  	v33 =	vadd.f32 v33, v51  }
0xfe: {  	v54 =	vld [tilespmem:$0xA30]  }
0xff: {  	v33 =	vadd.f32 v33, v52  }
0x100: {  	v55 =	vld [tilespmem:$0x840]  }
0x101: {  	v33 =	vadd.f32 v33, v53  }
0x102: {  	v56 =	vld [tilespmem:$0xA40]  }
0x103: {  	v33 =	vadd.f32 v33, v54  }
0x104: {  	v57 =	vld [tilespmem:$0x850]  }
0x105: {  	v33 =	vadd.f32 v33, v55  }
0x106: {  	v58 =	vld [tilespmem:$0xA50]  }
0x107: {  	v33 =	vadd.f32 v33, v56  }
0x108: {  	v59 =	vld [tilespmem:$0x860]  }
0x109: {  	v33 =	vadd.f32 v33, v57  }
0x10a: {  	v60 =	vld [tilespmem:$0xA60]  }
0x10b: {  	v33 =	vadd.f32 v33, v58  }
0x10c: {  	v61 =	vld [tilespmem:$0x870]  }
0x10d: {  	v33 =	vadd.f32 v33, v59  }
0x10e: {  	v62 =	vld [tilespmem:$0xA70]  }
0x10f: {  	v33 =	vadd.f32 v33, v60;
	_ =	sdelay $0x1  }
0x110: {  	v33 =	vadd.f32 v33, v61;
	_ =	sdelay $0x1  }
0x111: {  	v33 =	vadd.f32 v33, v62;
	_ =	sdelay $0x1  }
0x112: {  	(v2sf) =	vpush v33, $0x0  }
0x113: {  	(v2sf) =	vpush v33, $0x1;
	_ =	sdelay $0x1  }
0x114: {  	(v2sf) =	vpush v33, $0x2;
	_ =	sdelay $0x1  }
0x115: {  	(v2sf) =	vpush v33, $0x3;
	_ =	sdelay $0x1  }
0x116: {  	(v2sf) =	vpush v33, $0x4;
	_ =	sdelay $0x1  }
0x117: {  	(v2sf) =	vpush v33, $0x5;
	_ =	sdelay $0x1  }
0x118: {  	(v2sf) =	vpush v33, $0x6;
	_ =	sdelay $0x1  }
0x119: {  	(v2sf) =	vpush v33, $0x7;
	_ =	sdelay $0x1  }
0x11a: {  	s13 =	spop (v2sf);
	(v2sf) =	vpush v33, $0x8  }
0x11b: {  	s14 =	spop (v2sf)  }
0x11c: {  	(v2sf) =	vpush v33, $0x9;
	s10 =	sadd.f32 s14, s13  }
0x11d: {  	s15 =	spop (v2sf)  }
0x11e: {  	(v2sf) =	vpush v33, $0xA;
	s10 =	sadd.f32 s10, s15  }
0x11f: {  	s16 =	spop (v2sf)  }
0x120: {  	(v2sf) =	vpush v33, $0xB;
	s10 =	sadd.f32 s10, s16  }
0x121: {  	s17 =	spop (v2sf)  }
0x122: {  	(v2sf) =	vpush v33, $0xC;
	s10 =	sadd.f32 s10, s17  }
0x123: {  	s18 =	spop (v2sf)  }
0x124: {  	(v2sf) =	vpush v33, $0xD;
	s10 =	sadd.f32 s10, s18  }
0x125: {  	s19 =	spop (v2sf)  }
0x126: {  	(v2sf) =	vpush v33, $0xE;
	s10 =	sadd.f32 s10, s19  }
0x127: {  	s20 =	spop (v2sf)  }
0x128: {  	(v2sf) =	vpush v33, $0xF;
	s10 =	sadd.f32 s10, s20  }
0x129: {  	s21 =	spop (v2sf)  }
0x12a: {  	s10 =	sadd.f32 s10, s21  }
0x12b: {  	s22 =	spop (v2sf)  }
0x12c: {  	s10 =	sadd.f32 s10, s22  }
0x12d: {  	s23 =	spop (v2sf)  }
0x12e: {  	s10 =	sadd.f32 s10, s23  }
0x12f: {  	s24 =	spop (v2sf)  }
0x130: {  	s10 =	sadd.f32 s10, s24  }
0x131: {  	s25 =	spop (v2sf)  }
0x132: {  	s10 =	sadd.f32 s10, s25  }
0x133: {  	s26 =	spop (v2sf)  }
0x134: {  	s10 =	sadd.f32 s10, s26  }
0x135: {  	s28 =	spop (v2sf)  }
0x136: {  	s10 =	sadd.f32 s10, s28  }
0x137: {  	s29 =	spop (v2sf)  }
0x138: {  	s10 =	sadd.f32 s10, s29;
	_ =	sdelay $0x1  }
0x139: {  	s30 =	rddreg [dreg:$0x6];
	v63 =	vmov s10  }
0x13a: {  	s31 =	rddreg [dreg:$0x19];
	[tilespmem:$0xA80] =	vst v63  }
0x13b: {  	[spmem:s30] =	stream.linear.scatter [tilespmem:s31], [sflag:$0x3], $0x10, $0x38;
	[tilespmem:$0xC10] =	vst v63  }
0x13c: {  	_ =	swait.ge [sflag:s6], $0x10  }
0x13d: {  	[sflag:s6] =	ssyncset.done $0x0  }
0x13e: {  	[sflag:s6] =	ssyncadd.s32 $0xFFFFFFF0  }
0x13f: {  	s10 =	simm.s32 @!p0 $0xB00;
	[bflag:$0x0] =	sbarrier.arrive $0xFFFF  }
0x140: {  	[tilespmem:s10], [sflag:$0x3] =	stream.linear.gather @!p0 [spmem:s3], $0x100, $0x38;
	[tilespmem:$0xC10] =	vst v63  }
0x141: {  	s10 =	simm.s32 @!p0 $0x3  }
0x142: {  	_ =	swait.ge @!p0 [sflag:s10], $0x100  }
0x143: {  	[sflag:s10] =	ssyncset.done @!p0 $0x0  }
0x144: {  	[sflag:s10] =	ssyncadd.s32 @!p0 $0xFFFFFF00  }
0x145: {  	v33 =	vld @!p0 [tilespmem:$0xB00]  }
0x146: {  	v34 =	vld @!p0 [tilespmem:$0xB10]  }
0x147: {  	v35 =	vld @!p0 [tilespmem:$0xB20]  }
0x148: {  	v36 =	vld @!p0 [tilespmem:$0xB30]  }
0x149: {  	v37 =	vld @!p0 [tilespmem:$0xB40]  }
0x14a: {  	v38 =	vld @!p0 [tilespmem:$0xB50]  }
0x14b: {  	v39 =	vld @!p0 [tilespmem:$0xB70];
	v33 =	vsub.f32 @!p0 v34, v33  }
0x14c: {  	v34 =	vld @!p0 [tilespmem:$0xB60]  }
0x14d: {  	v40 =	vld @!p0 [tilespmem:$0xB90];
	v35 =	vsub.f32 @!p0 v36, v35;
	v33 =	vmax.f32 @!p0 v33, $0.0e+00  }
0x14e: {  	v36 =	vld @!p0 [tilespmem:$0xB80];
	v33 =	vadd.f32 @!p0 $0.0e+00, v33  }
0x14f: {  	v37 =	vsub.f32 @!p0 v38, v37;
	v38 =	vld @!p0 [tilespmem:$0xBA0];
	v35 =	vmax.f32 @!p0 v35, $0.0e+00  }
0x150: {  	v33 =	vadd.f32 @!p0 v35, v33;
	v35 =	vld @!p0 [tilespmem:$0xBB0]  }
0x151: {  	v37 =	vmax.f32 @!p0 v37, $0.0e+00;
	v34 =	vsub.f32 @!p0 v39, v34;
	v39 =	vld @!p0 [tilespmem:$0xBC0]  }
0x152: {  	v33 =	vadd.f32 @!p0 v37, v33;
	v37 =	vld @!p0 [tilespmem:$0xBD0]  }
0x153: {  	v36 =	vsub.f32 @!p0 v40, v36;
	v40 =	vld @!p0 [tilespmem:$0xBE0];
	v34 =	vmax.f32 @!p0 v34, $0.0e+00  }
0x154: {  	v33 =	vadd.f32 @!p0 v34, v33;
	v34 =	vld @!p0 [tilespmem:$0xBF0]  }
0x155: {  	v36 =	vmax.f32 @!p0 v36, $0.0e+00;
	v35 =	vsub.f32 @!p0 v35, v38  }
0x156: {  	v33 =	vadd.f32 @!p0 v36, v33  }
0x157: {  	v36 =	vsub.f32 @!p0 v37, v39;
	v35 =	vmax.f32 @!p0 v35, $0.0e+00  }
0x158: {  	v33 =	vadd.f32 @!p0 v35, v33  }
0x159: {  	v34 =	vsub.f32 @!p0 v34, v40;
	v35 =	vmax.f32 @!p0 v36, $0.0e+00  }
0x15a: {  	v33 =	vadd.f32 @!p0 v35, v33  }
0x15b: {  	v34 =	vmax.f32 @!p0 v34, $0.0e+00  }
0x15c: {  	s5 =	sadd.s32 $0xFFFFFFFF, s5;
	v33 =	vadd.f32 @!p0 v34, v33  }
0x15d: {  	p1 =	sne.s32 s5, $0x0;
	s12 =	simm.s32 @!p0 $0x0  }
.Ltmp0:
0x15e: {  	s13 =	simm.s32 @!p0 $0xA80;
	s11 =	rddreg [dreg:$0x7];
	[tilespmem:$0xA80] =	vst @!p0 v33;
	(pc) =	sbr.rel @p1 .LBB2_1-.Ltmp0, $4  }
0x15f: {  	[hbm4b:s11+s12] =	stream.linear.scatter @!p0 [tilespmem:s13], [sflag:$0x3], $0x10, $0x38;
	[tilespmem:$0xC10] =	vst v63  }
0x160: {  	_ =	swait.ge @!p0 [sflag:s10], $0x10  }
0x161: {  	[sflag:s10] =	ssyncset.done @!p0 $0x0  }
0x162: {  	[sflag:s10] =	ssyncadd.s32 @!p0 $0xFFFFFFF0  }
0x163: {  	_ =	sfence.sel $0x180000  }
0x164: {  	[bflag:$0x0] =	sbarrier.arrive $0xFFFF  }
0x165: {  	_ =	strace $0x90000047  }
0x166: {  	s0 =	sadd.s32 @!p0 $0x100000, s2;
	[bflag:$0x2] =	sbarrier.arrive $0xFFFF  }
0x167: {  	[sflag:s0] =	ssyncadd.tile.s32 @!p0 $0x1;
	_ =	shalt  }
.Lfunc_end2:
_tile_overlayer_lowered:
.L_overlay_start_2:
0x168: {  	(tag) =	ssettag $0x2  }
0x169: {  	s0 =	rddreg [dreg:$0x0];
	s2 =	stileid.u32  }
0x16a: {  	s1 =	rddreg [dreg:$0x1];
	p0 =	sne.s32 s2, $0x0  }
0x16b: {  	s3 =	rddreg [dreg:$0x2];
	[bflag:$0x3] =	sbarrier.arrive $0xFFFF;
	s2 =	simm.s32 @!p0 $0x1C03  }
0x16c: {  	[timem:s3], [sflag:s2] =	dma.local @!p0 [hbm:s0], s1  }
0x16d: {  	s0 =	simm.s32 @!p0 $0x3  }
0x16e: {  	_ =	swait.ge @!p0 [sflag:s0], s1  }
0x16f: {  	s1 =	ssub.s32 @!p0 $0x0, s1;
	[sflag:s0] =	ssyncset.done @!p0 $0x0  }
0x170: {  	[sflag:s0] =	ssyncadd.s32 @!p0 s1  }
0x171: {  	[bflag:$0x3] =	sbarrier.arrive $0xFFFF  }
0x172: {  	_ =	shalt  }

</sc_bundles>
